<compile_context>
chip_gen: v7x
topology: tpu7x:2x2x1
jax: 0.10.2.dev20260603
libtpu: 0.0.44.dev20260713+nightly
codegen_flags: <defaults>
</compile_context>

<pallas_src>
import functools

import jax
import jax.numpy as jnp
from jax import lax
from jax.experimental import pallas as pl
from jax.experimental.pallas import tpu as pltpu
from jax.experimental.pallas import tpu_sc as plsc

N = 10000
E = 320000
D = 128
COUT = 64
DP = 144
CH = 128
NCHUNK = E // CH
NCORES = 2
NSUB = 16
NTILES = NCORES * NSUB
NPAD = 10240
RPT = NPAD // NSUB
BN = 1000


def _prep_body(x_ref, c12_ref, xpad_ref, atab_ref):
    xb = x_ref[...]
    ones = jnp.ones((BN, 1), jnp.float32)
    zeros = jnp.zeros((BN, DP - D - 1), jnp.float32)
    xpad_ref[...] = jnp.concatenate([xb, ones, zeros], axis=1)
    atab_ref[...] = jnp.dot(xb, c12_ref[...], preferred_element_type=jnp.float32)


def _finish_body(part_ref, wfc_ref, b_ref, out_ref):
    s = part_ref[0] + part_ref[1]
    h = s[:, :D]
    den = s[:, D:D + 1]
    h = h * (1.0 / (den + 1e-9))
    out_ref[...] = (
        jnp.dot(h, wfc_ref[...], preferred_element_type=jnp.float32) + b_ref[...]
    )


def _sc_body(xpad_hbm, atab_hbm, src_hbm, dst_hbm, part_hbm,
             src_i, dst_i, atab_v, ex_v, rows_v, acc_sp, gsem, ssem):
    c = lax.axis_index("c")
    s = lax.axis_index("s")
    wid = c * NSUB + s

    pltpu.sync_copy(atab_hbm, atab_v)

    def _zero_row(r, _):
        for j in range(DP // 16):
            rows_v[r, pl.ds(j * 16, 16)] = jnp.zeros((16,), jnp.float32)
        return 0
    lax.fori_loop(0, CH, _zero_row, 0)

    base = s * RPT
    for k in range(RPT // CH):
        pltpu.sync_copy(rows_v, acc_sp.at[pl.ds(base + k * CH, CH)])
    plsc.subcore_barrier()

    nb = NCHUNK // NTILES
    rem = NCHUNK - nb * NTILES
    start = wid * nb + jnp.minimum(wid, rem)
    n_g = nb + jnp.where(wid < rem, 1, 0)

    one16 = jnp.ones((16,), jnp.int32)

    for j in range(CH // 16):
        dst_i[pl.ds(j * 16, 16)] = jnp.zeros((16,), jnp.int32)
    pltpu.async_copy(rows_v, acc_sp.at[dst_i], ssem, add=True)

    def _chunk(i, _):
        g = start + i
        off = pl.multiple_of(g * CH, CH)
        pltpu.sync_copy(src_hbm.at[pl.ds(off, CH)], src_i)
        pltpu.make_async_copy(rows_v, acc_sp.at[dst_i], ssem).wait()
        pltpu.sync_copy(dst_hbm.at[pl.ds(off, CH)], dst_i)
        for j in range(CH // 16):
            sv = src_i[pl.ds(j * 16, 16)]
            dv = dst_i[pl.ds(j * 16, 16)]
            a1 = plsc.load_gather(atab_v, [sv * 2])
            a2 = plsc.load_gather(atab_v, [dv * 2 + one16])
            ee = a1 + a2
            ee = jnp.where(ee >= 0.0, ee, ee * 0.01)
            ex_v[pl.ds(j * 16, 16)] = jnp.exp(ee)
        pltpu.async_copy(xpad_hbm.at[src_i], rows_v, gsem).wait()

        def _mul_row(r, _):
            ev = plsc.load_gather(ex_v, [jnp.full((16,), r, jnp.int32)])
            for j in range(DP // 16):
                rows_v[r, pl.ds(j * 16, 16)] = rows_v[r, pl.ds(j * 16, 16)] * ev
            return 0
        lax.fori_loop(0, CH, _mul_row, 0)

        pltpu.async_copy(rows_v, acc_sp.at[dst_i], ssem, add=True)
        return 0
    lax.fori_loop(0, n_g, _chunk, 0)

    pltpu.make_async_copy(rows_v, acc_sp.at[dst_i], ssem).wait()
    plsc.subcore_barrier()
    pltpu.sync_copy(acc_sp.at[pl.ds(base, RPT)],
                    part_hbm.at[c, pl.ds(base, RPT)])


def kernel(x, edge_index, Wc, Wq, Wk, W_attn, Wfc, b_fc):
    del Wq, Wk
    src = edge_index[0].astype(jnp.int32)
    dst = edge_index[1].astype(jnp.int32)
    c12 = jnp.stack([Wc @ W_attn[:COUT, 0], Wc @ W_attn[COUT:, 0]], axis=1)

    xpad, atab = pl.pallas_call(
        _prep_body,
        grid=(N // BN,),
        in_specs=[
            pl.BlockSpec((BN, D), lambda i: (i, 0)),
            pl.BlockSpec((D, 2), lambda i: (0, 0)),
        ],
        out_specs=[
            pl.BlockSpec((BN, DP), lambda i: (i, 0)),
            pl.BlockSpec((BN, 2), lambda i: (i, 0)),
        ],
        out_shape=[
            jax.ShapeDtypeStruct((N, DP), jnp.float32),
            jax.ShapeDtypeStruct((N, 2), jnp.float32),
        ],
    )(x, c12)

    mesh = plsc.VectorSubcoreMesh(core_axis_name="c", subcore_axis_name="s")
    part = pl.kernel(
        _sc_body,
        out_type=jax.ShapeDtypeStruct((NCORES, NPAD, DP), jnp.float32),
        mesh=mesh,
        compiler_params=pltpu.CompilerParams(needs_layout_passes=False,
                                             use_tc_tiling_on_sc=False),
        scratch_types=[
            pltpu.VMEM((CH,), jnp.int32),
            pltpu.VMEM((CH,), jnp.int32),
            pltpu.VMEM((2 * N,), jnp.float32),
            pltpu.VMEM((CH,), jnp.float32),
            pltpu.VMEM((CH, DP), jnp.float32),
            pltpu.VMEM_SHARED((NPAD, DP), jnp.float32),
            pltpu.SemaphoreType.DMA,
            pltpu.SemaphoreType.DMA,
        ],
    )(xpad, atab.reshape(2 * N), src, dst)

    out = pl.pallas_call(
        _finish_body,
        grid=(N // BN,),
        in_specs=[
            pl.BlockSpec((NCORES, BN, DP), lambda i: (0, i, 0)),
            pl.BlockSpec((D, D), lambda i: (0, 0)),
            pl.BlockSpec((1, D), lambda i: (0, 0)),
        ],
        out_specs=pl.BlockSpec((BN, D), lambda i: (i, 0)),
        out_shape=jax.ShapeDtypeStruct((N, D), jnp.float32),
    )(part, Wfc, b_fc.reshape(1, D))
    return out

# --- scband reference (transcript-rebuilt; emitter-appended) ---
"""Pipeline reference for scband-context-gnn-59030030516361 (READ-ONLY COPY).

The authoritative reference and input builder live on the scoring server;
editing this copy changes nothing except your own understanding.
"""

import jax, jax.numpy as jnp
import numpy as np

N = 10000
E = 320000
D = 128
KQ = 64
COUT = 64
DOUT = 128


def setup_inputs(seed: int = 0) -> dict:
    key = jax.random.key(seed)
    ks = jax.random.split(key, 9)
    x = jax.random.normal(ks[0], (N, D), dtype=jnp.float32)
    edge_index = jax.random.randint(ks[1], (2, E), 0, N, dtype=jnp.int64)
    # learned parameters (xavier-normal-ish scaling)
    Wc = jax.random.normal(ks[2], (D, COUT), dtype=jnp.float32) * (2.0 / (D + COUT)) ** 0.5
    Wq = jax.random.normal(ks[3], (D, KQ), dtype=jnp.float32) * (2.0 / (D + KQ)) ** 0.5
    Wk = jax.random.normal(ks[4], (D, KQ), dtype=jnp.float32) * (2.0 / (D + KQ)) ** 0.5
    W_attn = jax.random.normal(ks[5], (2 * COUT, 1), dtype=jnp.float32) * (2.0 / (2 * COUT + 1)) ** 0.5
    Wfc = jax.random.normal(ks[6], (D, DOUT), dtype=jnp.float32) * (2.0 / (D + DOUT)) ** 0.5
    b_fc = jnp.zeros((DOUT,), dtype=jnp.float32)
    return {"x": x, "edge_index": edge_index, "Wc": Wc, "Wq": Wq, "Wk": Wk, "W_attn": W_attn, "Wfc": Wfc, "b_fc": b_fc}


def reference(x, edge_index, Wc, Wq, Wk, W_attn, Wfc, b_fc):
    # Single-ntype / single-etype instantiation of CGNNLayer.forward
    n = x.shape[0]
    src = edge_index[0]
    dst = edge_index[1]
    # graph_aggregation (g_agg_type='mean'); dropout p=0 is identity
    gfeat = jnp.mean(x, axis=0)
    # context_attention: C_h = c_linear(h); edge score c_A = attn_fc([C_h_src || C_h_dst])
    Ch = x @ Wc
    z_edge = jnp.concatenate([jnp.take(Ch, src, axis=0), jnp.take(Ch, dst, axis=0)], axis=1)
    cA = (z_edge @ W_attn)[:, 0]
    # graph_attention over canonical etypes (single etype -> softmax over one score)
    qh = gfeat @ Wq
    kh = gfeat @ Wk
    zscore = jnp.sum(kh * qh) / (kh.shape[-1] ** 0.5)
    gA = jax.nn.softmax(jnp.stack([zscore]))[0]
    # reduce_func: e = leaky_relu(c_A); alpha = softmax over incoming edges per dst node
    e = jax.nn.leaky_relu(cA, negative_slope=0.01)
    emax = jax.ops.segment_max(e, dst, num_segments=n)
    emax = jnp.where(jnp.isfinite(emax), emax, 0.0)
    ex = jnp.exp(e - jnp.take(emax, dst))
    denom = jax.ops.segment_sum(ex, dst, num_segments=n)
    alpha = ex / (jnp.take(denom, dst) + 1e-9)
    msg = alpha[:, None] * jnp.take(x, src, axis=0)
    h_agg = jax.ops.segment_sum(msg, dst, num_segments=n)
    h_new = gA * h_agg
    # fc (cgnn_non_linear=False -> plain linear)
    out = h_new @ Wfc + b_fc
    return out

if __name__ == "__main__":
    import jax
    _d = setup_inputs()
    print(jax.jit(kernel)(*tuple(_d.values())))

</pallas_src>

<mosaic_0001>
#map = affine_map<(d0, d1) -> (0, 0)>
#map1 = affine_map<(d0, d1) -> (0)>
#map2 = affine_map<(d0, d1) -> (0, 0, 0)>
module attributes {stable_mosaic.version = 14 : i64} {
  func.func @_sc_body(%arg0: i32, %arg1: i32, %arg2: memref<10000x144xf32, #tpu.memory_space<hbm>>, %arg3: memref<20000xf32, #tpu.memory_space<hbm>>, %arg4: memref<320000xi32, #tpu.memory_space<hbm>>, %arg5: memref<320000xi32, #tpu.memory_space<hbm>>, %arg6: memref<2x10240x144xf32, #tpu.memory_space<hbm>>, %arg7: memref<128xi32, #tpu.memory_space<vmem>>, %arg8: memref<128xi32, #tpu.memory_space<vmem>>, %arg9: memref<20000xf32, #tpu.memory_space<vmem>>, %arg10: memref<128xf32, #tpu.memory_space<vmem>>, %arg11: memref<128x144xf32, #tpu.memory_space<vmem>>, %arg12: memref<10240x144xf32, #tpu.memory_space<vmem_shared>>, %arg13: memref<!tpu.dma_semaphore, #tpu.memory_space<semaphore_mem>>, %arg14: memref<!tpu.dma_semaphore, #tpu.memory_space<semaphore_mem>>) attributes {dimension_semantics = [#tpu.dimension_semantics<core_parallel>, #tpu.dimension_semantics<subcore_parallel>], iteration_bounds = array<i64: 2, 16>, scalar_prefetch = 0 : i64, scratch_operands = 8 : i64, tpu.core_type = #tpu.core_type<sc_vector_subcore>, window_params = [{transform_indices = #map}, {transform_indices = #map1}, {transform_indices = #map1}, {transform_indices = #map1}, {transform_indices = #map2}]} {
    %mul3A = arith.constant 16 : i32
    %mul3A_0 = arith.muli %arg0, %mul3A : i32
    %add3A = arith.addi %mul3A_0, %arg1 : i32
    "tpu.region"() ({
      %run_scoped3A = tpu.sem_alloc : memref<!tpu.dma_semaphore, #tpu.memory_space<semaphore_mem>>
      tpu.enqueue_dma source(%arg3 : memref<20000xf32, #tpu.memory_space<hbm>>) target(%arg9 : memref<20000xf32, #tpu.memory_space<vmem>>) target_semaphore(%run_scoped3A : memref<!tpu.dma_semaphore, #tpu.memory_space<semaphore_mem>>)
      tpu.wait_dma2 semaphore(%run_scoped3A : memref<!tpu.dma_semaphore, #tpu.memory_space<semaphore_mem>>) src(%arg3 : memref<20000xf32, #tpu.memory_space<hbm>>) dst(%arg9 : memref<20000xf32, #tpu.memory_space<vmem>>)
      tpu.yield
    }) : () -> ()
    %scan3A = arith.constant 0 : i32
    %scan3A_1 = arith.constant 0 : i32
    %scan3A_2 = arith.constant 128 : i32
    %scan3A_3 = arith.addi %scan3A_1, %scan3A_2 : i32
    %scan3A_4 = arith.constant 1 : i32
    %scan3A_5 = scf.for %scan3A_75 = %scan3A_1 to %scan3A_3 step %scan3A_4 iter_args(%scan3A_76 = %scan3A) -> (i32)  : i32 {
      %broadcast_in_dim3A_77 = arith.constant 0.000000e+00 : f32
      %broadcast_in_dim3A_78 = vector.broadcast %broadcast_in_dim3A_77 : f32 to vector<16xf32>
      %swap3A_79 = arith.index_cast %scan3A_75 : i32 to index
      %swap3A_80 = arith.constant 0 : index
      %swap3A_81 = tpu.vector_load %arg11[%swap3A_79, %swap3A_80] {strides = array<i32>} : memref<128x144xf32, #tpu.memory_space<vmem>>, vector<16xf32>,
      tpu.vector_store %arg11[%swap3A_79, %swap3A_80], %broadcast_in_dim3A_78 {strides = array<i32>} : memref<128x144xf32, #tpu.memory_space<vmem>>, vector<16xf32>,
      %broadcast_in_dim3A_82 = arith.constant 0.000000e+00 : f32
      %broadcast_in_dim3A_83 = vector.broadcast %broadcast_in_dim3A_82 : f32 to vector<16xf32>
      %swap3A_84 = arith.index_cast %scan3A_75 : i32 to index
      %swap3A_85 = arith.constant 16 : index
      %swap3A_86 = tpu.vector_load %arg11[%swap3A_84, %swap3A_85] {strides = array<i32>} : memref<128x144xf32, #tpu.memory_space<vmem>>, vector<16xf32>,
      tpu.vector_store %arg11[%swap3A_84, %swap3A_85], %broadcast_in_dim3A_83 {strides = array<i32>} : memref<128x144xf32, #tpu.memory_space<vmem>>, vector<16xf32>,
      %broadcast_in_dim3A_87 = arith.constant 0.000000e+00 : f32
      %broadcast_in_dim3A_88 = vector.broadcast %broadcast_in_dim3A_87 : f32 to vector<16xf32>
      %swap3A_89 = arith.index_cast %scan3A_75 : i32 to index
      %swap3A_90 = arith.constant 32 : index
      %swap3A_91 = tpu.vector_load %arg11[%swap3A_89, %swap3A_90] {strides = array<i32>} : memref<128x144xf32, #tpu.memory_space<vmem>>, vector<16xf32>,
      tpu.vector_store %arg11[%swap3A_89, %swap3A_90], %broadcast_in_dim3A_88 {strides = array<i32>} : memref<128x144xf32, #tpu.memory_space<vmem>>, vector<16xf32>,
      %broadcast_in_dim3A_92 = arith.constant 0.000000e+00 : f32
      %broadcast_in_dim3A_93 = vector.broadcast %broadcast_in_dim3A_92 : f32 to vector<16xf32>
      %swap3A_94 = arith.index_cast %scan3A_75 : i32 to index
      %swap3A_95 = arith.constant 48 : index
      %swap3A_96 = tpu.vector_load %arg11[%swap3A_94, %swap3A_95] {strides = array<i32>} : memref<128x144xf32, #tpu.memory_space<vmem>>, vector<16xf32>,
      tpu.vector_store %arg11[%swap3A_94, %swap3A_95], %broadcast_in_dim3A_93 {strides = array<i32>} : memref<128x144xf32, #tpu.memory_space<vmem>>, vector<16xf32>,
      %broadcast_in_dim3A_97 = arith.constant 0.000000e+00 : f32
      %broadcast_in_dim3A_98 = vector.broadcast %broadcast_in_dim3A_97 : f32 to vector<16xf32>
      %swap3A_99 = arith.index_cast %scan3A_75 : i32 to index
      %swap3A_100 = arith.constant 64 : index
      %swap3A_101 = tpu.vector_load %arg11[%swap3A_99, %swap3A_100] {strides = array<i32>} : memref<128x144xf32, #tpu.memory_space<vmem>>, vector<16xf32>,
      tpu.vector_store %arg11[%swap3A_99, %swap3A_100], %broadcast_in_dim3A_98 {strides = array<i32>} : memref<128x144xf32, #tpu.memory_space<vmem>>, vector<16xf32>,
      %broadcast_in_dim3A_102 = arith.constant 0.000000e+00 : f32
      %broadcast_in_dim3A_103 = vector.broadcast %broadcast_in_dim3A_102 : f32 to vector<16xf32>
      %swap3A_104 = arith.index_cast %scan3A_75 : i32 to index
      %swap3A_105 = arith.constant 80 : index
      %swap3A_106 = tpu.vector_load %arg11[%swap3A_104, %swap3A_105] {strides = array<i32>} : memref<128x144xf32, #tpu.memory_space<vmem>>, vector<16xf32>,
      tpu.vector_store %arg11[%swap3A_104, %swap3A_105], %broadcast_in_dim3A_103 {strides = array<i32>} : memref<128x144xf32, #tpu.memory_space<vmem>>, vector<16xf32>,
      %broadcast_in_dim3A_107 = arith.constant 0.000000e+00 : f32
      %broadcast_in_dim3A_108 = vector.broadcast %broadcast_in_dim3A_107 : f32 to vector<16xf32>
      %swap3A_109 = arith.index_cast %scan3A_75 : i32 to index
      %swap3A_110 = arith.constant 96 : index
      %swap3A_111 = tpu.vector_load %arg11[%swap3A_109, %swap3A_110] {strides = array<i32>} : memref<128x144xf32, #tpu.memory_space<vmem>>, vector<16xf32>,
      tpu.vector_store %arg11[%swap3A_109, %swap3A_110], %broadcast_in_dim3A_108 {strides = array<i32>} : memref<128x144xf32, #tpu.memory_space<vmem>>, vector<16xf32>,
      %broadcast_in_dim3A_112 = arith.constant 0.000000e+00 : f32
      %broadcast_in_dim3A_113 = vector.broadcast %broadcast_in_dim3A_112 : f32 to vector<16xf32>
      %swap3A_114 = arith.index_cast %scan3A_75 : i32 to index
      %swap3A_115 = arith.constant 112 : index
      %swap3A_116 = tpu.vector_load %arg11[%swap3A_114, %swap3A_115] {strides = array<i32>} : memref<128x144xf32, #tpu.memory_space<vmem>>, vector<16xf32>,
      tpu.vector_store %arg11[%swap3A_114, %swap3A_115], %broadcast_in_dim3A_113 {strides = array<i32>} : memref<128x144xf32, #tpu.memory_space<vmem>>, vector<16xf32>,
      %broadcast_in_dim3A_117 = arith.constant 0.000000e+00 : f32
      %broadcast_in_dim3A_118 = vector.broadcast %broadcast_in_dim3A_117 : f32 to vector<16xf32>
      %swap3A_119 = arith.index_cast %scan3A_75 : i32 to index
      %swap3A_120 = arith.constant 128 : index
      %swap3A_121 = tpu.vector_load %arg11[%swap3A_119, %swap3A_120] {strides = array<i32>} : memref<128x144xf32, #tpu.memory_space<vmem>>, vector<16xf32>,
      tpu.vector_store %arg11[%swap3A_119, %swap3A_120], %broadcast_in_dim3A_118 {strides = array<i32>} : memref<128x144xf32, #tpu.memory_space<vmem>>, vector<16xf32>,
      %scan3A_122 = arith.constant 0 : i32
      scf.yield %scan3A_122 : i32
    }
    %scan3A_6 = arith.constant 128 : i32
    %mul3A_7 = arith.constant 640 : i32
    %mul3A_8 = arith.muli %arg1, %mul3A_7 : i32
    %add3A_9 = arith.constant 0 : i32
    %add3A_10 = arith.addi %mul3A_8, %add3A_9 : i32
    "tpu.region"() ({
      %run_scoped3A = tpu.sem_alloc : memref<!tpu.dma_semaphore, #tpu.memory_space<semaphore_mem>>
      %dma_start3A_75 = arith.constant 0 : i32
      %dma_start3A_76 = tpu.memref_slice %arg12[%add3A_10, %dma_start3A_75] : memref<10240x144xf32, #tpu.memory_space<vmem_shared>> -> memref<128x144xf32, #tpu.memory_space<vmem_shared>>
      %dma_start3A_77 = arith.constant 0 : i32
      %dma_start3A_78 = tpu.memref_slice %arg12[%add3A_10, %dma_start3A_77] : memref<10240x144xf32, #tpu.memory_space<vmem_shared>> -> memref<128x144xf32, #tpu.memory_space<vmem_shared>>
      tpu.enqueue_dma source(%arg11 : memref<128x144xf32, #tpu.memory_space<vmem>>) target(%dma_start3A_78 : memref<128x144xf32, #tpu.memory_space<vmem_shared>>) target_semaphore(%run_scoped3A : memref<!tpu.dma_semaphore, #tpu.memory_space<semaphore_mem>>)
      %dma_wait3A_79 = arith.constant 0 : i32
      %dma_wait3A_80 = tpu.memref_slice %arg12[%add3A_10, %dma_wait3A_79] : memref<10240x144xf32, #tpu.memory_space<vmem_shared>> -> memref<128x144xf32, #tpu.memory_space<vmem_shared>>
      %dma_wait3A_81 = arith.constant 0 : i32
      %dma_wait3A_82 = tpu.memref_slice %arg12[%add3A_10, %dma_wait3A_81] : memref<10240x144xf32, #tpu.memory_space<vmem_shared>> -> memref<128x144xf32, #tpu.memory_space<vmem_shared>>
      tpu.wait_dma2 semaphore(%run_scoped3A : memref<!tpu.dma_semaphore, #tpu.memory_space<semaphore_mem>>) src(%arg11 : memref<128x144xf32, #tpu.memory_space<vmem>>) dst(%dma_wait3A_82 : memref<128x144xf32, #tpu.memory_space<vmem_shared>>)
      tpu.yield
    }) : () -> ()
    %add3A_11 = arith.constant 128 : i32
    %add3A_12 = arith.addi %mul3A_8, %add3A_11 : i32
    "tpu.region"() ({
      %run_scoped3A = tpu.sem_alloc : memref<!tpu.dma_semaphore, #tpu.memory_space<semaphore_mem>>
      %dma_start3A_75 = arith.constant 0 : i32
      %dma_start3A_76 = tpu.memref_slice %arg12[%add3A_12, %dma_start3A_75] : memref<10240x144xf32, #tpu.memory_space<vmem_shared>> -> memref<128x144xf32, #tpu.memory_space<vmem_shared>>
      %dma_start3A_77 = arith.constant 0 : i32
      %dma_start3A_78 = tpu.memref_slice %arg12[%add3A_12, %dma_start3A_77] : memref<10240x144xf32, #tpu.memory_space<vmem_shared>> -> memref<128x144xf32, #tpu.memory_space<vmem_shared>>
      tpu.enqueue_dma source(%arg11 : memref<128x144xf32, #tpu.memory_space<vmem>>) target(%dma_start3A_78 : memref<128x144xf32, #tpu.memory_space<vmem_shared>>) target_semaphore(%run_scoped3A : memref<!tpu.dma_semaphore, #tpu.memory_space<semaphore_mem>>)
      %dma_wait3A_79 = arith.constant 0 : i32
      %dma_wait3A_80 = tpu.memref_slice %arg12[%add3A_12, %dma_wait3A_79] : memref<10240x144xf32, #tpu.memory_space<vmem_shared>> -> memref<128x144xf32, #tpu.memory_space<vmem_shared>>
      %dma_wait3A_81 = arith.constant 0 : i32
      %dma_wait3A_82 = tpu.memref_slice %arg12[%add3A_12, %dma_wait3A_81] : memref<10240x144xf32, #tpu.memory_space<vmem_shared>> -> memref<128x144xf32, #tpu.memory_space<vmem_shared>>
      tpu.wait_dma2 semaphore(%run_scoped3A : memref<!tpu.dma_semaphore, #tpu.memory_space<semaphore_mem>>) src(%arg11 : memref<128x144xf32, #tpu.memory_space<vmem>>) dst(%dma_wait3A_82 : memref<128x144xf32, #tpu.memory_space<vmem_shared>>)
      tpu.yield
    }) : () -> ()
    %add3A_13 = arith.constant 256 : i32
    %add3A_14 = arith.addi %mul3A_8, %add3A_13 : i32
    "tpu.region"() ({
      %run_scoped3A = tpu.sem_alloc : memref<!tpu.dma_semaphore, #tpu.memory_space<semaphore_mem>>
      %dma_start3A_75 = arith.constant 0 : i32
      %dma_start3A_76 = tpu.memref_slice %arg12[%add3A_14, %dma_start3A_75] : memref<10240x144xf32, #tpu.memory_space<vmem_shared>> -> memref<128x144xf32, #tpu.memory_space<vmem_shared>>
      %dma_start3A_77 = arith.constant 0 : i32
      %dma_start3A_78 = tpu.memref_slice %arg12[%add3A_14, %dma_start3A_77] : memref<10240x144xf32, #tpu.memory_space<vmem_shared>> -> memref<128x144xf32, #tpu.memory_space<vmem_shared>>
      tpu.enqueue_dma source(%arg11 : memref<128x144xf32, #tpu.memory_space<vmem>>) target(%dma_start3A_78 : memref<128x144xf32, #tpu.memory_space<vmem_shared>>) target_semaphore(%run_scoped3A : memref<!tpu.dma_semaphore, #tpu.memory_space<semaphore_mem>>)
      %dma_wait3A_79 = arith.constant 0 : i32
      %dma_wait3A_80 = tpu.memref_slice %arg12[%add3A_14, %dma_wait3A_79] : memref<10240x144xf32, #tpu.memory_space<vmem_shared>> -> memref<128x144xf32, #tpu.memory_space<vmem_shared>>
      %dma_wait3A_81 = arith.constant 0 : i32
      %dma_wait3A_82 = tpu.memref_slice %arg12[%add3A_14, %dma_wait3A_81] : memref<10240x144xf32, #tpu.memory_space<vmem_shared>> -> memref<128x144xf32, #tpu.memory_space<vmem_shared>>
      tpu.wait_dma2 semaphore(%run_scoped3A : memref<!tpu.dma_semaphore, #tpu.memory_space<semaphore_mem>>) src(%arg11 : memref<128x144xf32, #tpu.memory_space<vmem>>) dst(%dma_wait3A_82 : memref<128x144xf32, #tpu.memory_space<vmem_shared>>)
      tpu.yield
    }) : () -> ()
    %add3A_15 = arith.constant 384 : i32
    %add3A_16 = arith.addi %mul3A_8, %add3A_15 : i32
    "tpu.region"() ({
      %run_scoped3A = tpu.sem_alloc : memref<!tpu.dma_semaphore, #tpu.memory_space<semaphore_mem>>
      %dma_start3A_75 = arith.constant 0 : i32
      %dma_start3A_76 = tpu.memref_slice %arg12[%add3A_16, %dma_start3A_75] : memref<10240x144xf32, #tpu.memory_space<vmem_shared>> -> memref<128x144xf32, #tpu.memory_space<vmem_shared>>
      %dma_start3A_77 = arith.constant 0 : i32
      %dma_start3A_78 = tpu.memref_slice %arg12[%add3A_16, %dma_start3A_77] : memref<10240x144xf32, #tpu.memory_space<vmem_shared>> -> memref<128x144xf32, #tpu.memory_space<vmem_shared>>
      tpu.enqueue_dma source(%arg11 : memref<128x144xf32, #tpu.memory_space<vmem>>) target(%dma_start3A_78 : memref<128x144xf32, #tpu.memory_space<vmem_shared>>) target_semaphore(%run_scoped3A : memref<!tpu.dma_semaphore, #tpu.memory_space<semaphore_mem>>)
      %dma_wait3A_79 = arith.constant 0 : i32
      %dma_wait3A_80 = tpu.memref_slice %arg12[%add3A_16, %dma_wait3A_79] : memref<10240x144xf32, #tpu.memory_space<vmem_shared>> -> memref<128x144xf32, #tpu.memory_space<vmem_shared>>
      %dma_wait3A_81 = arith.constant 0 : i32
      %dma_wait3A_82 = tpu.memref_slice %arg12[%add3A_16, %dma_wait3A_81] : memref<10240x144xf32, #tpu.memory_space<vmem_shared>> -> memref<128x144xf32, #tpu.memory_space<vmem_shared>>
      tpu.wait_dma2 semaphore(%run_scoped3A : memref<!tpu.dma_semaphore, #tpu.memory_space<semaphore_mem>>) src(%arg11 : memref<128x144xf32, #tpu.memory_space<vmem>>) dst(%dma_wait3A_82 : memref<128x144xf32, #tpu.memory_space<vmem_shared>>)
      tpu.yield
    }) : () -> ()
    %add3A_17 = arith.constant 512 : i32
    %add3A_18 = arith.addi %mul3A_8, %add3A_17 : i32
    "tpu.region"() ({
      %run_scoped3A = tpu.sem_alloc : memref<!tpu.dma_semaphore, #tpu.memory_space<semaphore_mem>>
      %dma_start3A_75 = arith.constant 0 : i32
      %dma_start3A_76 = tpu.memref_slice %arg12[%add3A_18, %dma_start3A_75] : memref<10240x144xf32, #tpu.memory_space<vmem_shared>> -> memref<128x144xf32, #tpu.memory_space<vmem_shared>>
      %dma_start3A_77 = arith.constant 0 : i32
      %dma_start3A_78 = tpu.memref_slice %arg12[%add3A_18, %dma_start3A_77] : memref<10240x144xf32, #tpu.memory_space<vmem_shared>> -> memref<128x144xf32, #tpu.memory_space<vmem_shared>>
      tpu.enqueue_dma source(%arg11 : memref<128x144xf32, #tpu.memory_space<vmem>>) target(%dma_start3A_78 : memref<128x144xf32, #tpu.memory_space<vmem_shared>>) target_semaphore(%run_scoped3A : memref<!tpu.dma_semaphore, #tpu.memory_space<semaphore_mem>>)
      %dma_wait3A_79 = arith.constant 0 : i32
      %dma_wait3A_80 = tpu.memref_slice %arg12[%add3A_18, %dma_wait3A_79] : memref<10240x144xf32, #tpu.memory_space<vmem_shared>> -> memref<128x144xf32, #tpu.memory_space<vmem_shared>>
      %dma_wait3A_81 = arith.constant 0 : i32
      %dma_wait3A_82 = tpu.memref_slice %arg12[%add3A_18, %dma_wait3A_81] : memref<10240x144xf32, #tpu.memory_space<vmem_shared>> -> memref<128x144xf32, #tpu.memory_space<vmem_shared>>
      tpu.wait_dma2 semaphore(%run_scoped3A : memref<!tpu.dma_semaphore, #tpu.memory_space<semaphore_mem>>) src(%arg11 : memref<128x144xf32, #tpu.memory_space<vmem>>) dst(%dma_wait3A_82 : memref<128x144xf32, #tpu.memory_space<vmem_shared>>)
      tpu.yield
    }) : () -> ()
    %barrier3A = arith.constant 0 : index
    tpu.barrier barrier_id(%barrier3A)
    %mul3A_19 = arith.constant 78 : i32
    %mul3A_20 = arith.muli %add3A, %mul3A_19 : i32
    %min3A = arith.constant 4 : i32
    %min3A_21 = arith.minsi %add3A, %min3A : i32
    %add3A_22 = arith.addi %mul3A_20, %min3A_21 : i32
    %lt3A = arith.constant 4 : i32
    %lt3A_23 = arith.cmpi slt, %add3A, %lt3A : i32
    %jit3A = arith.constant 1 : i32
    %jit3A_24 = arith.constant 0 : i32
    %select_n3A = arith.select %lt3A_23, %jit3A, %jit3A_24 : i32
    %add3A_25 = arith.constant 78 : i32
    %add3A_26 = arith.addi %add3A_25, %select_n3A : i32
    %broadcast_in_dim3A = arith.constant 1 : i32
    %broadcast_in_dim3A_27 = vector.broadcast %broadcast_in_dim3A : i32 to vector<16xi32>
    %broadcast_in_dim3A_28 = arith.constant 0 : i32
    %broadcast_in_dim3A_29 = vector.broadcast %broadcast_in_dim3A_28 : i32 to vector<16xi32>
    %swap3A = arith.constant 0 : index
    %swap3A_30 = tpu.vector_load %arg8[%swap3A] {strides = array<i32>} : memref<128xi32, #tpu.memory_space<vmem>>, vector<16xi32>,
    tpu.vector_store %arg8[%swap3A], %broadcast_in_dim3A_29 {strides = array<i32>} : memref<128xi32, #tpu.memory_space<vmem>>, vector<16xi32>,
    %broadcast_in_dim3A_31 = arith.constant 0 : i32
    %broadcast_in_dim3A_32 = vector.broadcast %broadcast_in_dim3A_31 : i32 to vector<16xi32>
    %swap3A_33 = arith.constant 16 : index
    %swap3A_34 = tpu.vector_load %arg8[%swap3A_33] {strides = array<i32>} : memref<128xi32, #tpu.memory_space<vmem>>, vector<16xi32>,
    tpu.vector_store %arg8[%swap3A_33], %broadcast_in_dim3A_32 {strides = array<i32>} : memref<128xi32, #tpu.memory_space<vmem>>, vector<16xi32>,
    %broadcast_in_dim3A_35 = arith.constant 0 : i32
    %broadcast_in_dim3A_36 = vector.broadcast %broadcast_in_dim3A_35 : i32 to vector<16xi32>
    %swap3A_37 = arith.constant 32 : index
    %swap3A_38 = tpu.vector_load %arg8[%swap3A_37] {strides = array<i32>} : memref<128xi32, #tpu.memory_space<vmem>>, vector<16xi32>,
    tpu.vector_store %arg8[%swap3A_37], %broadcast_in_dim3A_36 {strides = array<i32>} : memref<128xi32, #tpu.memory_space<vmem>>, vector<16xi32>,
    %broadcast_in_dim3A_39 = arith.constant 0 : i32
    %broadcast_in_dim3A_40 = vector.broadcast %broadcast_in_dim3A_39 : i32 to vector<16xi32>
    %swap3A_41 = arith.constant 48 : index
    %swap3A_42 = tpu.vector_load %arg8[%swap3A_41] {strides = array<i32>} : memref<128xi32, #tpu.memory_space<vmem>>, vector<16xi32>,
    tpu.vector_store %arg8[%swap3A_41], %broadcast_in_dim3A_40 {strides = array<i32>} : memref<128xi32, #tpu.memory_space<vmem>>, vector<16xi32>,
    %broadcast_in_dim3A_43 = arith.constant 0 : i32
    %broadcast_in_dim3A_44 = vector.broadcast %broadcast_in_dim3A_43 : i32 to vector<16xi32>
    %swap3A_45 = arith.constant 64 : index
    %swap3A_46 = tpu.vector_load %arg8[%swap3A_45] {strides = array<i32>} : memref<128xi32, #tpu.memory_space<vmem>>, vector<16xi32>,
    tpu.vector_store %arg8[%swap3A_45], %broadcast_in_dim3A_44 {strides = array<i32>} : memref<128xi32, #tpu.memory_space<vmem>>, vector<16xi32>,
    %broadcast_in_dim3A_47 = arith.constant 0 : i32
    %broadcast_in_dim3A_48 = vector.broadcast %broadcast_in_dim3A_47 : i32 to vector<16xi32>
    %swap3A_49 = arith.constant 80 : index
    %swap3A_50 = tpu.vector_load %arg8[%swap3A_49] {strides = array<i32>} : memref<128xi32, #tpu.memory_space<vmem>>, vector<16xi32>,
    tpu.vector_store %arg8[%swap3A_49], %broadcast_in_dim3A_48 {strides = array<i32>} : memref<128xi32, #tpu.memory_space<vmem>>, vector<16xi32>,
    %broadcast_in_dim3A_51 = arith.constant 0 : i32
    %broadcast_in_dim3A_52 = vector.broadcast %broadcast_in_dim3A_51 : i32 to vector<16xi32>
    %swap3A_53 = arith.constant 96 : index
    %swap3A_54 = tpu.vector_load %arg8[%swap3A_53] {strides = array<i32>} : memref<128xi32, #tpu.memory_space<vmem>>, vector<16xi32>,
    tpu.vector_store %arg8[%swap3A_53], %broadcast_in_dim3A_52 {strides = array<i32>} : memref<128xi32, #tpu.memory_space<vmem>>, vector<16xi32>,
    %broadcast_in_dim3A_55 = arith.constant 0 : i32
    %broadcast_in_dim3A_56 = vector.broadcast %broadcast_in_dim3A_55 : i32 to vector<16xi32>
    %swap3A_57 = arith.constant 112 : index
    %swap3A_58 = tpu.vector_load %arg8[%swap3A_57] {strides = array<i32>} : memref<128xi32, #tpu.memory_space<vmem>>, vector<16xi32>,
    tpu.vector_store %arg8[%swap3A_57], %broadcast_in_dim3A_56 {strides = array<i32>} : memref<128xi32, #tpu.memory_space<vmem>>, vector<16xi32>,
    %dma_start3A = arith.constant 0 : i32
    %dma_start3A_59 = arith.constant 0 : i32
    %dma_start3A_60 = tpu.memref_slice %arg12[%dma_start3A, %dma_start3A_59] : memref<10240x144xf32, #tpu.memory_space<vmem_shared>> -> memref<10240x144xf32, #tpu.memory_space<vmem_shared>>
    tpu.enqueue_indirect_dma source(%arg11 : memref<128x144xf32, #tpu.memory_space<vmem>>) target(%dma_start3A_60 : memref<10240x144xf32, #tpu.memory_space<vmem_shared>>) offsets(%arg8 : memref<128xi32, #tpu.memory_space<vmem>>) semaphore(%arg14 : memref<!tpu.dma_semaphore, #tpu.memory_space<semaphore_mem>>) {add = true}
    %while3A = arith.constant 0 : i32
    %while3A_61 = arith.constant 0 : i32
    %while3A_62 = arith.subi %add3A_26, %while3A : i32
    %while3A_63 = arith.addi %while3A, %while3A_62 : i32
    %while3A_64 = arith.constant 1 : i32
    %while3A_65 = arith.divsi %while3A_62, %while3A_64 : i32
    %while3A_66 = arith.muli %while3A_65, %while3A_64 : i32
    %while3A_67 = arith.addi %while3A, %while3A_66 : i32
    %while3A_68 = arith.constant 1 : i32
    %while3A_69 = scf.for %while3A_75 = %while3A to %while3A_67 step %while3A_68 iter_args(%while3A_76 = %while3A_61) -> (i32)  : i32 {
      %add3A_77 = arith.addi %add3A_22, %while3A_75 : i32
      %mul3A_78 = arith.constant 128 : i32
      %mul3A_79 = arith.muli %add3A_77, %mul3A_78 : i32
      %multiple_of3A = tpu.assume_multiple %mul3A_79, 128 : i32
      "tpu.region"() ({
        %run_scoped3A = tpu.sem_alloc : memref<!tpu.dma_semaphore, #tpu.memory_space<semaphore_mem>>
        %dma_start3A_288 = tpu.memref_slice %arg4[%multiple_of3A] : memref<320000xi32, #tpu.memory_space<hbm>> -> memref<128xi32, #tpu.memory_space<hbm>>
        %dma_start3A_289 = tpu.memref_slice %arg4[%multiple_of3A] : memref<320000xi32, #tpu.memory_space<hbm>> -> memref<128xi32, #tpu.memory_space<hbm>>
        tpu.enqueue_dma source(%dma_start3A_289 : memref<128xi32, #tpu.memory_space<hbm>>) target(%arg7 : memref<128xi32, #tpu.memory_space<vmem>>) target_semaphore(%run_scoped3A : memref<!tpu.dma_semaphore, #tpu.memory_space<semaphore_mem>>)
        %dma_wait3A_290 = tpu.memref_slice %arg4[%multiple_of3A] : memref<320000xi32, #tpu.memory_space<hbm>> -> memref<128xi32, #tpu.memory_space<hbm>>
        %dma_wait3A_291 = tpu.memref_slice %arg4[%multiple_of3A] : memref<320000xi32, #tpu.memory_space<hbm>> -> memref<128xi32, #tpu.memory_space<hbm>>
        tpu.wait_dma2 semaphore(%run_scoped3A : memref<!tpu.dma_semaphore, #tpu.memory_space<semaphore_mem>>) src(%dma_wait3A_291 : memref<128xi32, #tpu.memory_space<hbm>>) dst(%arg7 : memref<128xi32, #tpu.memory_space<vmem>>)
        tpu.yield
      }) : () -> ()
      %dma_wait3A_80 = arith.constant 0 : i32
      %dma_wait3A_81 = arith.constant 0 : i32
      %dma_wait3A_82 = tpu.memref_slice %arg12[%dma_wait3A_80, %dma_wait3A_81] : memref<10240x144xf32, #tpu.memory_space<vmem_shared>> -> memref<10240x144xf32, #tpu.memory_space<vmem_shared>>
      tpu.wait_indirect_dma semaphore(%arg14 : memref<!tpu.dma_semaphore, #tpu.memory_space<semaphore_mem>>) src(%arg11 : memref<128x144xf32, #tpu.memory_space<vmem>>) dst(%dma_wait3A_82 : memref<10240x144xf32, #tpu.memory_space<vmem_shared>>)
      "tpu.region"() ({
        %run_scoped3A = tpu.sem_alloc : memref<!tpu.dma_semaphore, #tpu.memory_space<semaphore_mem>>
        %dma_start3A_288 = tpu.memref_slice %arg5[%multiple_of3A] : memref<320000xi32, #tpu.memory_space<hbm>> -> memref<128xi32, #tpu.memory_space<hbm>>
        %dma_start3A_289 = tpu.memref_slice %arg5[%multiple_of3A] : memref<320000xi32, #tpu.memory_space<hbm>> -> memref<128xi32, #tpu.memory_space<hbm>>
        tpu.enqueue_dma source(%dma_start3A_289 : memref<128xi32, #tpu.memory_space<hbm>>) target(%arg8 : memref<128xi32, #tpu.memory_space<vmem>>) target_semaphore(%run_scoped3A : memref<!tpu.dma_semaphore, #tpu.memory_space<semaphore_mem>>)
        %dma_wait3A_290 = tpu.memref_slice %arg5[%multiple_of3A] : memref<320000xi32, #tpu.memory_space<hbm>> -> memref<128xi32, #tpu.memory_space<hbm>>
        %dma_wait3A_291 = tpu.memref_slice %arg5[%multiple_of3A] : memref<320000xi32, #tpu.memory_space<hbm>> -> memref<128xi32, #tpu.memory_space<hbm>>
        tpu.wait_dma2 semaphore(%run_scoped3A : memref<!tpu.dma_semaphore, #tpu.memory_space<semaphore_mem>>) src(%dma_wait3A_291 : memref<128xi32, #tpu.memory_space<hbm>>) dst(%arg8 : memref<128xi32, #tpu.memory_space<vmem>>)
        tpu.yield
      }) : () -> ()
      %get3A = arith.constant 0 : index
      %get3A_83 = tpu.vector_load %arg7[%get3A] {strides = array<i32>} : memref<128xi32, #tpu.memory_space<vmem>>, vector<16xi32>,
      %get3A_84 = arith.constant 0 : index
      %get3A_85 = tpu.vector_load %arg8[%get3A_84] {strides = array<i32>} : memref<128xi32, #tpu.memory_space<vmem>>, vector<16xi32>,
      %mul3A_86 = arith.constant 2 : i32
      %mul3A_87 = vector.broadcast %mul3A_86 : i32 to vector<16xi32>
      %mul3A_88 = arith.muli %get3A_83, %mul3A_87 : vector<16xi32>
      %gather3A = tpu.vector_load_idx %arg9[%mul3A_88] : memref<20000xf32, #tpu.memory_space<vmem>>[vector<16xi32>], vector<16xf32>,
      %mul3A_89 = arith.constant 2 : i32
      %mul3A_90 = vector.broadcast %mul3A_89 : i32 to vector<16xi32>
      %mul3A_91 = arith.muli %get3A_85, %mul3A_90 : vector<16xi32>
      %add3A_92 = arith.addi %mul3A_91, %broadcast_in_dim3A_27 : vector<16xi32>
      %gather3A_93 = tpu.vector_load_idx %arg9[%add3A_92] : memref<20000xf32, #tpu.memory_space<vmem>>[vector<16xi32>], vector<16xf32>,
      %add3A_94 = arith.addf %gather3A, %gather3A_93 : vector<16xf32>
      %ge3A = arith.constant 0.000000e+00 : f32
      %ge3A_95 = vector.broadcast %ge3A : f32 to vector<16xf32>
      %ge3A_96 = arith.cmpf oge, %add3A_94, %ge3A_95 : vector<16xf32>
      %mul3A_97 = arith.constant 0.00999999977 : f32
      %mul3A_98 = vector.broadcast %mul3A_97 : f32 to vector<16xf32>
      %mul3A_99 = arith.mulf %add3A_94, %mul3A_98 : vector<16xf32>
      %select_n3A_100 = arith.select %ge3A_96, %add3A_94, %mul3A_99 : vector<16xi1>, vector<16xf32>
      %exp3A = math.exp %select_n3A_100 : vector<16xf32>
      %swap3A_101 = arith.constant 0 : index
      %swap3A_102 = tpu.vector_load %arg10[%swap3A_101] {strides = array<i32>} : memref<128xf32, #tpu.memory_space<vmem>>, vector<16xf32>,
      tpu.vector_store %arg10[%swap3A_101], %exp3A {strides = array<i32>} : memref<128xf32, #tpu.memory_space<vmem>>, vector<16xf32>,
      %get3A_103 = arith.constant 16 : index
      %get3A_104 = tpu.vector_load %arg7[%get3A_103] {strides = array<i32>} : memref<128xi32, #tpu.memory_space<vmem>>, vector<16xi32>,
      %get3A_105 = arith.constant 16 : index
      %get3A_106 = tpu.vector_load %arg8[%get3A_105] {strides = array<i32>} : memref<128xi32, #tpu.memory_space<vmem>>, vector<16xi32>,
      %mul3A_107 = arith.constant 2 : i32
      %mul3A_108 = vector.broadcast %mul3A_107 : i32 to vector<16xi32>
      %mul3A_109 = arith.muli %get3A_104, %mul3A_108 : vector<16xi32>
      %gather3A_110 = tpu.vector_load_idx %arg9[%mul3A_109] : memref<20000xf32, #tpu.memory_space<vmem>>[vector<16xi32>], vector<16xf32>,
      %mul3A_111 = arith.constant 2 : i32
      %mul3A_112 = vector.broadcast %mul3A_111 : i32 to vector<16xi32>
      %mul3A_113 = arith.muli %get3A_106, %mul3A_112 : vector<16xi32>
      %add3A_114 = arith.addi %mul3A_113, %broadcast_in_dim3A_27 : vector<16xi32>
      %gather3A_115 = tpu.vector_load_idx %arg9[%add3A_114] : memref<20000xf32, #tpu.memory_space<vmem>>[vector<16xi32>], vector<16xf32>,
      %add3A_116 = arith.addf %gather3A_110, %gather3A_115 : vector<16xf32>
      %ge3A_117 = arith.constant 0.000000e+00 : f32
      %ge3A_118 = vector.broadcast %ge3A_117 : f32 to vector<16xf32>
      %ge3A_119 = arith.cmpf oge, %add3A_116, %ge3A_118 : vector<16xf32>
      %mul3A_120 = arith.constant 0.00999999977 : f32
      %mul3A_121 = vector.broadcast %mul3A_120 : f32 to vector<16xf32>
      %mul3A_122 = arith.mulf %add3A_116, %mul3A_121 : vector<16xf32>
      %select_n3A_123 = arith.select %ge3A_119, %add3A_116, %mul3A_122 : vector<16xi1>, vector<16xf32>
      %exp3A_124 = math.exp %select_n3A_123 : vector<16xf32>
      %swap3A_125 = arith.constant 16 : index
      %swap3A_126 = tpu.vector_load %arg10[%swap3A_125] {strides = array<i32>} : memref<128xf32, #tpu.memory_space<vmem>>, vector<16xf32>,
      tpu.vector_store %arg10[%swap3A_125], %exp3A_124 {strides = array<i32>} : memref<128xf32, #tpu.memory_space<vmem>>, vector<16xf32>,
      %get3A_127 = arith.constant 32 : index
      %get3A_128 = tpu.vector_load %arg7[%get3A_127] {strides = array<i32>} : memref<128xi32, #tpu.memory_space<vmem>>, vector<16xi32>,
      %get3A_129 = arith.constant 32 : index
      %get3A_130 = tpu.vector_load %arg8[%get3A_129] {strides = array<i32>} : memref<128xi32, #tpu.memory_space<vmem>>, vector<16xi32>,
      %mul3A_131 = arith.constant 2 : i32
      %mul3A_132 = vector.broadcast %mul3A_131 : i32 to vector<16xi32>
      %mul3A_133 = arith.muli %get3A_128, %mul3A_132 : vector<16xi32>
      %gather3A_134 = tpu.vector_load_idx %arg9[%mul3A_133] : memref<20000xf32, #tpu.memory_space<vmem>>[vector<16xi32>], vector<16xf32>,
      %mul3A_135 = arith.constant 2 : i32
      %mul3A_136 = vector.broadcast %mul3A_135 : i32 to vector<16xi32>
      %mul3A_137 = arith.muli %get3A_130, %mul3A_136 : vector<16xi32>
      %add3A_138 = arith.addi %mul3A_137, %broadcast_in_dim3A_27 : vector<16xi32>
      %gather3A_139 = tpu.vector_load_idx %arg9[%add3A_138] : memref<20000xf32, #tpu.memory_space<vmem>>[vector<16xi32>], vector<16xf32>,
      %add3A_140 = arith.addf %gather3A_134, %gather3A_139 : vector<16xf32>
      %ge3A_141 = arith.constant 0.000000e+00 : f32
      %ge3A_142 = vector.broadcast %ge3A_141 : f32 to vector<16xf32>
      %ge3A_143 = arith.cmpf oge, %add3A_140, %ge3A_142 : vector<16xf32>
      %mul3A_144 = arith.constant 0.00999999977 : f32
      %mul3A_145 = vector.broadcast %mul3A_144 : f32 to vector<16xf32>
      %mul3A_146 = arith.mulf %add3A_140, %mul3A_145 : vector<16xf32>
      %select_n3A_147 = arith.select %ge3A_143, %add3A_140, %mul3A_146 : vector<16xi1>, vector<16xf32>
      %exp3A_148 = math.exp %select_n3A_147 : vector<16xf32>
      %swap3A_149 = arith.constant 32 : index
      %swap3A_150 = tpu.vector_load %arg10[%swap3A_149] {strides = array<i32>} : memref<128xf32, #tpu.memory_space<vmem>>, vector<16xf32>,
      tpu.vector_store %arg10[%swap3A_149], %exp3A_148 {strides = array<i32>} : memref<128xf32, #tpu.memory_space<vmem>>, vector<16xf32>,
      %get3A_151 = arith.constant 48 : index
      %get3A_152 = tpu.vector_load %arg7[%get3A_151] {strides = array<i32>} : memref<128xi32, #tpu.memory_space<vmem>>, vector<16xi32>,
      %get3A_153 = arith.constant 48 : index
      %get3A_154 = tpu.vector_load %arg8[%get3A_153] {strides = array<i32>} : memref<128xi32, #tpu.memory_space<vmem>>, vector<16xi32>,
      %mul3A_155 = arith.constant 2 : i32
      %mul3A_156 = vector.broadcast %mul3A_155 : i32 to vector<16xi32>
      %mul3A_157 = arith.muli %get3A_152, %mul3A_156 : vector<16xi32>
      %gather3A_158 = tpu.vector_load_idx %arg9[%mul3A_157] : memref<20000xf32, #tpu.memory_space<vmem>>[vector<16xi32>], vector<16xf32>,
      %mul3A_159 = arith.constant 2 : i32
      %mul3A_160 = vector.broadcast %mul3A_159 : i32 to vector<16xi32>
      %mul3A_161 = arith.muli %get3A_154, %mul3A_160 : vector<16xi32>
      %add3A_162 = arith.addi %mul3A_161, %broadcast_in_dim3A_27 : vector<16xi32>
      %gather3A_163 = tpu.vector_load_idx %arg9[%add3A_162] : memref<20000xf32, #tpu.memory_space<vmem>>[vector<16xi32>], vector<16xf32>,
      %add3A_164 = arith.addf %gather3A_158, %gather3A_163 : vector<16xf32>
      %ge3A_165 = arith.constant 0.000000e+00 : f32
      %ge3A_166 = vector.broadcast %ge3A_165 : f32 to vector<16xf32>
      %ge3A_167 = arith.cmpf oge, %add3A_164, %ge3A_166 : vector<16xf32>
      %mul3A_168 = arith.constant 0.00999999977 : f32
      %mul3A_169 = vector.broadcast %mul3A_168 : f32 to vector<16xf32>
      %mul3A_170 = arith.mulf %add3A_164, %mul3A_169 : vector<16xf32>
      %select_n3A_171 = arith.select %ge3A_167, %add3A_164, %mul3A_170 : vector<16xi1>, vector<16xf32>
      %exp3A_172 = math.exp %select_n3A_171 : vector<16xf32>
      %swap3A_173 = arith.constant 48 : index
      %swap3A_174 = tpu.vector_load %arg10[%swap3A_173] {strides = array<i32>} : memref<128xf32, #tpu.memory_space<vmem>>, vector<16xf32>,
      tpu.vector_store %arg10[%swap3A_173], %exp3A_172 {strides = array<i32>} : memref<128xf32, #tpu.memory_space<vmem>>, vector<16xf32>,
      %get3A_175 = arith.constant 64 : index
      %get3A_176 = tpu.vector_load %arg7[%get3A_175] {strides = array<i32>} : memref<128xi32, #tpu.memory_space<vmem>>, vector<16xi32>,
      %get3A_177 = arith.constant 64 : index
      %get3A_178 = tpu.vector_load %arg8[%get3A_177] {strides = array<i32>} : memref<128xi32, #tpu.memory_space<vmem>>, vector<16xi32>,
      %mul3A_179 = arith.constant 2 : i32
      %mul3A_180 = vector.broadcast %mul3A_179 : i32 to vector<16xi32>
      %mul3A_181 = arith.muli %get3A_176, %mul3A_180 : vector<16xi32>
      %gather3A_182 = tpu.vector_load_idx %arg9[%mul3A_181] : memref<20000xf32, #tpu.memory_space<vmem>>[vector<16xi32>], vector<16xf32>,
      %mul3A_183 = arith.constant 2 : i32
      %mul3A_184 = vector.broadcast %mul3A_183 : i32 to vector<16xi32>
      %mul3A_185 = arith.muli %get3A_178, %mul3A_184 : vector<16xi32>
      %add3A_186 = arith.addi %mul3A_185, %broadcast_in_dim3A_27 : vector<16xi32>
      %gather3A_187 = tpu.vector_load_idx %arg9[%add3A_186] : memref<20000xf32, #tpu.memory_space<vmem>>[vector<16xi32>], vector<16xf32>,
      %add3A_188 = arith.addf %gather3A_182, %gather3A_187 : vector<16xf32>
      %ge3A_189 = arith.constant 0.000000e+00 : f32
      %ge3A_190 = vector.broadcast %ge3A_189 : f32 to vector<16xf32>
      %ge3A_191 = arith.cmpf oge, %add3A_188, %ge3A_190 : vector<16xf32>
      %mul3A_192 = arith.constant 0.00999999977 : f32
      %mul3A_193 = vector.broadcast %mul3A_192 : f32 to vector<16xf32>
      %mul3A_194 = arith.mulf %add3A_188, %mul3A_193 : vector<16xf32>
      %select_n3A_195 = arith.select %ge3A_191, %add3A_188, %mul3A_194 : vector<16xi1>, vector<16xf32>
      %exp3A_196 = math.exp %select_n3A_195 : vector<16xf32>
      %swap3A_197 = arith.constant 64 : index
      %swap3A_198 = tpu.vector_load %arg10[%swap3A_197] {strides = array<i32>} : memref<128xf32, #tpu.memory_space<vmem>>, vector<16xf32>,
      tpu.vector_store %arg10[%swap3A_197], %exp3A_196 {strides = array<i32>} : memref<128xf32, #tpu.memory_space<vmem>>, vector<16xf32>,
      %get3A_199 = arith.constant 80 : index
      %get3A_200 = tpu.vector_load %arg7[%get3A_199] {strides = array<i32>} : memref<128xi32, #tpu.memory_space<vmem>>, vector<16xi32>,
      %get3A_201 = arith.constant 80 : index
      %get3A_202 = tpu.vector_load %arg8[%get3A_201] {strides = array<i32>} : memref<128xi32, #tpu.memory_space<vmem>>, vector<16xi32>,
      %mul3A_203 = arith.constant 2 : i32
      %mul3A_204 = vector.broadcast %mul3A_203 : i32 to vector<16xi32>
      %mul3A_205 = arith.muli %get3A_200, %mul3A_204 : vector<16xi32>
      %gather3A_206 = tpu.vector_load_idx %arg9[%mul3A_205] : memref<20000xf32, #tpu.memory_space<vmem>>[vector<16xi32>], vector<16xf32>,
      %mul3A_207 = arith.constant 2 : i32
      %mul3A_208 = vector.broadcast %mul3A_207 : i32 to vector<16xi32>
      %mul3A_209 = arith.muli %get3A_202, %mul3A_208 : vector<16xi32>
      %add3A_210 = arith.addi %mul3A_209, %broadcast_in_dim3A_27 : vector<16xi32>
      %gather3A_211 = tpu.vector_load_idx %arg9[%add3A_210] : memref<20000xf32, #tpu.memory_space<vmem>>[vector<16xi32>], vector<16xf32>,
      %add3A_212 = arith.addf %gather3A_206, %gather3A_211 : vector<16xf32>
      %ge3A_213 = arith.constant 0.000000e+00 : f32
      %ge3A_214 = vector.broadcast %ge3A_213 : f32 to vector<16xf32>
      %ge3A_215 = arith.cmpf oge, %add3A_212, %ge3A_214 : vector<16xf32>
      %mul3A_216 = arith.constant 0.00999999977 : f32
      %mul3A_217 = vector.broadcast %mul3A_216 : f32 to vector<16xf32>
      %mul3A_218 = arith.mulf %add3A_212, %mul3A_217 : vector<16xf32>
      %select_n3A_219 = arith.select %ge3A_215, %add3A_212, %mul3A_218 : vector<16xi1>, vector<16xf32>
      %exp3A_220 = math.exp %select_n3A_219 : vector<16xf32>
      %swap3A_221 = arith.constant 80 : index
      %swap3A_222 = tpu.vector_load %arg10[%swap3A_221] {strides = array<i32>} : memref<128xf32, #tpu.memory_space<vmem>>, vector<16xf32>,
      tpu.vector_store %arg10[%swap3A_221], %exp3A_220 {strides = array<i32>} : memref<128xf32, #tpu.memory_space<vmem>>, vector<16xf32>,
      %get3A_223 = arith.constant 96 : index
      %get3A_224 = tpu.vector_load %arg7[%get3A_223] {strides = array<i32>} : memref<128xi32, #tpu.memory_space<vmem>>, vector<16xi32>,
      %get3A_225 = arith.constant 96 : index
      %get3A_226 = tpu.vector_load %arg8[%get3A_225] {strides = array<i32>} : memref<128xi32, #tpu.memory_space<vmem>>, vector<16xi32>,
      %mul3A_227 = arith.constant 2 : i32
      %mul3A_228 = vector.broadcast %mul3A_227 : i32 to vector<16xi32>
      %mul3A_229 = arith.muli %get3A_224, %mul3A_228 : vector<16xi32>
      %gather3A_230 = tpu.vector_load_idx %arg9[%mul3A_229] : memref<20000xf32, #tpu.memory_space<vmem>>[vector<16xi32>], vector<16xf32>,
      %mul3A_231 = arith.constant 2 : i32
      %mul3A_232 = vector.broadcast %mul3A_231 : i32 to vector<16xi32>
      %mul3A_233 = arith.muli %get3A_226, %mul3A_232 : vector<16xi32>
      %add3A_234 = arith.addi %mul3A_233, %broadcast_in_dim3A_27 : vector<16xi32>
      %gather3A_235 = tpu.vector_load_idx %arg9[%add3A_234] : memref<20000xf32, #tpu.memory_space<vmem>>[vector<16xi32>], vector<16xf32>,
      %add3A_236 = arith.addf %gather3A_230, %gather3A_235 : vector<16xf32>
      %ge3A_237 = arith.constant 0.000000e+00 : f32
      %ge3A_238 = vector.broadcast %ge3A_237 : f32 to vector<16xf32>
      %ge3A_239 = arith.cmpf oge, %add3A_236, %ge3A_238 : vector<16xf32>
      %mul3A_240 = arith.constant 0.00999999977 : f32
      %mul3A_241 = vector.broadcast %mul3A_240 : f32 to vector<16xf32>
      %mul3A_242 = arith.mulf %add3A_236, %mul3A_241 : vector<16xf32>
      %select_n3A_243 = arith.select %ge3A_239, %add3A_236, %mul3A_242 : vector<16xi1>, vector<16xf32>
      %exp3A_244 = math.exp %select_n3A_243 : vector<16xf32>
      %swap3A_245 = arith.constant 96 : index
      %swap3A_246 = tpu.vector_load %arg10[%swap3A_245] {strides = array<i32>} : memref<128xf32, #tpu.memory_space<vmem>>, vector<16xf32>,
      tpu.vector_store %arg10[%swap3A_245], %exp3A_244 {strides = array<i32>} : memref<128xf32, #tpu.memory_space<vmem>>, vector<16xf32>,
      %get3A_247 = arith.constant 112 : index
      %get3A_248 = tpu.vector_load %arg7[%get3A_247] {strides = array<i32>} : memref<128xi32, #tpu.memory_space<vmem>>, vector<16xi32>,
      %get3A_249 = arith.constant 112 : index
      %get3A_250 = tpu.vector_load %arg8[%get3A_249] {strides = array<i32>} : memref<128xi32, #tpu.memory_space<vmem>>, vector<16xi32>,
      %mul3A_251 = arith.constant 2 : i32
      %mul3A_252 = vector.broadcast %mul3A_251 : i32 to vector<16xi32>
      %mul3A_253 = arith.muli %get3A_248, %mul3A_252 : vector<16xi32>
      %gather3A_254 = tpu.vector_load_idx %arg9[%mul3A_253] : memref<20000xf32, #tpu.memory_space<vmem>>[vector<16xi32>], vector<16xf32>,
      %mul3A_255 = arith.constant 2 : i32
      %mul3A_256 = vector.broadcast %mul3A_255 : i32 to vector<16xi32>
      %mul3A_257 = arith.muli %get3A_250, %mul3A_256 : vector<16xi32>
      %add3A_258 = arith.addi %mul3A_257, %broadcast_in_dim3A_27 : vector<16xi32>
      %gather3A_259 = tpu.vector_load_idx %arg9[%add3A_258] : memref<20000xf32, #tpu.memory_space<vmem>>[vector<16xi32>], vector<16xf32>,
      %add3A_260 = arith.addf %gather3A_254, %gather3A_259 : vector<16xf32>
      %ge3A_261 = arith.constant 0.000000e+00 : f32
      %ge3A_262 = vector.broadcast %ge3A_261 : f32 to vector<16xf32>
      %ge3A_263 = arith.cmpf oge, %add3A_260, %ge3A_262 : vector<16xf32>
      %mul3A_264 = arith.constant 0.00999999977 : f32
      %mul3A_265 = vector.broadcast %mul3A_264 : f32 to vector<16xf32>
      %mul3A_266 = arith.mulf %add3A_260, %mul3A_265 : vector<16xf32>
      %select_n3A_267 = arith.select %ge3A_263, %add3A_260, %mul3A_266 : vector<16xi1>, vector<16xf32>
      %exp3A_268 = math.exp %select_n3A_267 : vector<16xf32>
      %swap3A_269 = arith.constant 112 : index
      %swap3A_270 = tpu.vector_load %arg10[%swap3A_269] {strides = array<i32>} : memref<128xf32, #tpu.memory_space<vmem>>, vector<16xf32>,
      tpu.vector_store %arg10[%swap3A_269], %exp3A_268 {strides = array<i32>} : memref<128xf32, #tpu.memory_space<vmem>>, vector<16xf32>,
      %dma_start3A_271 = arith.constant 0 : i32
      %dma_start3A_272 = arith.constant 0 : i32
      %dma_start3A_273 = tpu.memref_slice %arg2[%dma_start3A_271, %dma_start3A_272] : memref<10000x144xf32, #tpu.memory_space<hbm>> -> memref<10000x144xf32, #tpu.memory_space<hbm>>
      tpu.enqueue_indirect_dma source(%dma_start3A_273 : memref<10000x144xf32, #tpu.memory_space<hbm>>) target(%arg11 : memref<128x144xf32, #tpu.memory_space<vmem>>) offsets(%arg7 : memref<128xi32, #tpu.memory_space<vmem>>) semaphore(%arg13 : memref<!tpu.dma_semaphore, #tpu.memory_space<semaphore_mem>>)
      %dma_wait3A_274 = arith.constant 0 : i32
      %dma_wait3A_275 = arith.constant 0 : i32
      %dma_wait3A_276 = tpu.memref_slice %arg2[%dma_wait3A_274, %dma_wait3A_275] : memref<10000x144xf32, #tpu.memory_space<hbm>> -> memref<10000x144xf32, #tpu.memory_space<hbm>>
      tpu.wait_indirect_dma semaphore(%arg13 : memref<!tpu.dma_semaphore, #tpu.memory_space<semaphore_mem>>) src(%dma_wait3A_276 : memref<10000x144xf32, #tpu.memory_space<hbm>>) dst(%arg11 : memref<128x144xf32, #tpu.memory_space<vmem>>)
      %scan3A_277 = arith.constant 0 : i32
      %scan3A_278 = arith.constant 0 : i32
      %scan3A_279 = arith.constant 128 : i32
      %scan3A_280 = arith.addi %scan3A_278, %scan3A_279 : i32
      %scan3A_281 = arith.constant 1 : i32
      %scan3A_282 = scf.for %scan3A_288 = %scan3A_278 to %scan3A_280 step %scan3A_281 iter_args(%scan3A_289 = %scan3A_277) -> (i32)  : i32 {
        %broadcast_in_dim3A_290 = vector.broadcast %scan3A_288 : i32 to vector<16xi32>
        %gather3A_291 = tpu.vector_load_idx %arg10[%broadcast_in_dim3A_290] : memref<128xf32, #tpu.memory_space<vmem>>[vector<16xi32>], vector<16xf32>,
        %get3A_292 = arith.index_cast %scan3A_288 : i32 to index
        %get3A_293 = arith.constant 0 : index
        %get3A_294 = tpu.vector_load %arg11[%get3A_292, %get3A_293] {strides = array<i32>} : memref<128x144xf32, #tpu.memory_space<vmem>>, vector<16xf32>,
        %mul3A_295 = arith.mulf %get3A_294, %gather3A_291 : vector<16xf32>
        %swap3A_296 = arith.index_cast %scan3A_288 : i32 to index
        %swap3A_297 = arith.constant 0 : index
        %swap3A_298 = tpu.vector_load %arg11[%swap3A_296, %swap3A_297] {strides = array<i32>} : memref<128x144xf32, #tpu.memory_space<vmem>>, vector<16xf32>,
        tpu.vector_store %arg11[%swap3A_296, %swap3A_297], %mul3A_295 {strides = array<i32>} : memref<128x144xf32, #tpu.memory_space<vmem>>, vector<16xf32>,
        %get3A_299 = arith.index_cast %scan3A_288 : i32 to index
        %get3A_300 = arith.constant 16 : index
        %get3A_301 = tpu.vector_load %arg11[%get3A_299, %get3A_300] {strides = array<i32>} : memref<128x144xf32, #tpu.memory_space<vmem>>, vector<16xf32>,
        %mul3A_302 = arith.mulf %get3A_301, %gather3A_291 : vector<16xf32>
        %swap3A_303 = arith.index_cast %scan3A_288 : i32 to index
        %swap3A_304 = arith.constant 16 : index
        %swap3A_305 = tpu.vector_load %arg11[%swap3A_303, %swap3A_304] {strides = array<i32>} : memref<128x144xf32, #tpu.memory_space<vmem>>, vector<16xf32>,
        tpu.vector_store %arg11[%swap3A_303, %swap3A_304], %mul3A_302 {strides = array<i32>} : memref<128x144xf32, #tpu.memory_space<vmem>>, vector<16xf32>,
        %get3A_306 = arith.index_cast %scan3A_288 : i32 to index
        %get3A_307 = arith.constant 32 : index
        %get3A_308 = tpu.vector_load %arg11[%get3A_306, %get3A_307] {strides = array<i32>} : memref<128x144xf32, #tpu.memory_space<vmem>>, vector<16xf32>,
        %mul3A_309 = arith.mulf %get3A_308, %gather3A_291 : vector<16xf32>
        %swap3A_310 = arith.index_cast %scan3A_288 : i32 to index
        %swap3A_311 = arith.constant 32 : index
        %swap3A_312 = tpu.vector_load %arg11[%swap3A_310, %swap3A_311] {strides = array<i32>} : memref<128x144xf32, #tpu.memory_space<vmem>>, vector<16xf32>,
        tpu.vector_store %arg11[%swap3A_310, %swap3A_311], %mul3A_309 {strides = array<i32>} : memref<128x144xf32, #tpu.memory_space<vmem>>, vector<16xf32>,
        %get3A_313 = arith.index_cast %scan3A_288 : i32 to index
        %get3A_314 = arith.constant 48 : index
        %get3A_315 = tpu.vector_load %arg11[%get3A_313, %get3A_314] {strides = array<i32>} : memref<128x144xf32, #tpu.memory_space<vmem>>, vector<16xf32>,
        %mul3A_316 = arith.mulf %get3A_315, %gather3A_291 : vector<16xf32>
        %swap3A_317 = arith.index_cast %scan3A_288 : i32 to index
        %swap3A_318 = arith.constant 48 : index
        %swap3A_319 = tpu.vector_load %arg11[%swap3A_317, %swap3A_318] {strides = array<i32>} : memref<128x144xf32, #tpu.memory_space<vmem>>, vector<16xf32>,
        tpu.vector_store %arg11[%swap3A_317, %swap3A_318], %mul3A_316 {strides = array<i32>} : memref<128x144xf32, #tpu.memory_space<vmem>>, vector<16xf32>,
        %get3A_320 = arith.index_cast %scan3A_288 : i32 to index
        %get3A_321 = arith.constant 64 : index
        %get3A_322 = tpu.vector_load %arg11[%get3A_320, %get3A_321] {strides = array<i32>} : memref<128x144xf32, #tpu.memory_space<vmem>>, vector<16xf32>,
        %mul3A_323 = arith.mulf %get3A_322, %gather3A_291 : vector<16xf32>
        %swap3A_324 = arith.index_cast %scan3A_288 : i32 to index
        %swap3A_325 = arith.constant 64 : index
        %swap3A_326 = tpu.vector_load %arg11[%swap3A_324, %swap3A_325] {strides = array<i32>} : memref<128x144xf32, #tpu.memory_space<vmem>>, vector<16xf32>,
        tpu.vector_store %arg11[%swap3A_324, %swap3A_325], %mul3A_323 {strides = array<i32>} : memref<128x144xf32, #tpu.memory_space<vmem>>, vector<16xf32>,
        %get3A_327 = arith.index_cast %scan3A_288 : i32 to index
        %get3A_328 = arith.constant 80 : index
        %get3A_329 = tpu.vector_load %arg11[%get3A_327, %get3A_328] {strides = array<i32>} : memref<128x144xf32, #tpu.memory_space<vmem>>, vector<16xf32>,
        %mul3A_330 = arith.mulf %get3A_329, %gather3A_291 : vector<16xf32>
        %swap3A_331 = arith.index_cast %scan3A_288 : i32 to index
        %swap3A_332 = arith.constant 80 : index
        %swap3A_333 = tpu.vector_load %arg11[%swap3A_331, %swap3A_332] {strides = array<i32>} : memref<128x144xf32, #tpu.memory_space<vmem>>, vector<16xf32>,
        tpu.vector_store %arg11[%swap3A_331, %swap3A_332], %mul3A_330 {strides = array<i32>} : memref<128x144xf32, #tpu.memory_space<vmem>>, vector<16xf32>,
        %get3A_334 = arith.index_cast %scan3A_288 : i32 to index
        %get3A_335 = arith.constant 96 : index
        %get3A_336 = tpu.vector_load %arg11[%get3A_334, %get3A_335] {strides = array<i32>} : memref<128x144xf32, #tpu.memory_space<vmem>>, vector<16xf32>,
        %mul3A_337 = arith.mulf %get3A_336, %gather3A_291 : vector<16xf32>
        %swap3A_338 = arith.index_cast %scan3A_288 : i32 to index
        %swap3A_339 = arith.constant 96 : index
        %swap3A_340 = tpu.vector_load %arg11[%swap3A_338, %swap3A_339] {strides = array<i32>} : memref<128x144xf32, #tpu.memory_space<vmem>>, vector<16xf32>,
        tpu.vector_store %arg11[%swap3A_338, %swap3A_339], %mul3A_337 {strides = array<i32>} : memref<128x144xf32, #tpu.memory_space<vmem>>, vector<16xf32>,
        %get3A_341 = arith.index_cast %scan3A_288 : i32 to index
        %get3A_342 = arith.constant 112 : index
        %get3A_343 = tpu.vector_load %arg11[%get3A_341, %get3A_342] {strides = array<i32>} : memref<128x144xf32, #tpu.memory_space<vmem>>, vector<16xf32>,
        %mul3A_344 = arith.mulf %get3A_343, %gather3A_291 : vector<16xf32>
        %swap3A_345 = arith.index_cast %scan3A_288 : i32 to index
        %swap3A_346 = arith.constant 112 : index
        %swap3A_347 = tpu.vector_load %arg11[%swap3A_345, %swap3A_346] {strides = array<i32>} : memref<128x144xf32, #tpu.memory_space<vmem>>, vector<16xf32>,
        tpu.vector_store %arg11[%swap3A_345, %swap3A_346], %mul3A_344 {strides = array<i32>} : memref<128x144xf32, #tpu.memory_space<vmem>>, vector<16xf32>,
        %get3A_348 = arith.index_cast %scan3A_288 : i32 to index
        %get3A_349 = arith.constant 128 : index
        %get3A_350 = tpu.vector_load %arg11[%get3A_348, %get3A_349] {strides = array<i32>} : memref<128x144xf32, #tpu.memory_space<vmem>>, vector<16xf32>,
        %mul3A_351 = arith.mulf %get3A_350, %gather3A_291 : vector<16xf32>
        %swap3A_352 = arith.index_cast %scan3A_288 : i32 to index
        %swap3A_353 = arith.constant 128 : index
        %swap3A_354 = tpu.vector_load %arg11[%swap3A_352, %swap3A_353] {strides = array<i32>} : memref<128x144xf32, #tpu.memory_space<vmem>>, vector<16xf32>,
        tpu.vector_store %arg11[%swap3A_352, %swap3A_353], %mul3A_351 {strides = array<i32>} : memref<128x144xf32, #tpu.memory_space<vmem>>, vector<16xf32>,
        %scan3A_355 = arith.constant 0 : i32
        scf.yield %scan3A_355 : i32
      }
      %scan3A_283 = arith.constant 128 : i32
      %dma_start3A_284 = arith.constant 0 : i32
      %dma_start3A_285 = arith.constant 0 : i32
      %dma_start3A_286 = tpu.memref_slice %arg12[%dma_start3A_284, %dma_start3A_285] : memref<10240x144xf32, #tpu.memory_space<vmem_shared>> -> memref<10240x144xf32, #tpu.memory_space<vmem_shared>>
      tpu.enqueue_indirect_dma source(%arg11 : memref<128x144xf32, #tpu.memory_space<vmem>>) target(%dma_start3A_286 : memref<10240x144xf32, #tpu.memory_space<vmem_shared>>) offsets(%arg8 : memref<128xi32, #tpu.memory_space<vmem>>) semaphore(%arg14 : memref<!tpu.dma_semaphore, #tpu.memory_space<semaphore_mem>>) {add = true}
      %while3A_287 = arith.constant 0 : i32
      scf.yield %while3A_287 : i32
    }
    %while3A_70 = arith.constant 1 : i32
    %while3A_71 = scf.for %while3A_75 = %while3A_67 to %while3A_63 step %while3A_70 iter_args(%while3A_76 = %while3A_69) -> (i32)  : i32 {
      %add3A_77 = arith.addi %add3A_22, %while3A_75 : i32
      %mul3A_78 = arith.constant 128 : i32
      %mul3A_79 = arith.muli %add3A_77, %mul3A_78 : i32
      %multiple_of3A = tpu.assume_multiple %mul3A_79, 128 : i32
      "tpu.region"() ({
        %run_scoped3A = tpu.sem_alloc : memref<!tpu.dma_semaphore, #tpu.memory_space<semaphore_mem>>
        %dma_start3A_288 = tpu.memref_slice %arg4[%multiple_of3A] : memref<320000xi32, #tpu.memory_space<hbm>> -> memref<128xi32, #tpu.memory_space<hbm>>
        %dma_start3A_289 = tpu.memref_slice %arg4[%multiple_of3A] : memref<320000xi32, #tpu.memory_space<hbm>> -> memref<128xi32, #tpu.memory_space<hbm>>
        tpu.enqueue_dma source(%dma_start3A_289 : memref<128xi32, #tpu.memory_space<hbm>>) target(%arg7 : memref<128xi32, #tpu.memory_space<vmem>>) target_semaphore(%run_scoped3A : memref<!tpu.dma_semaphore, #tpu.memory_space<semaphore_mem>>)
        %dma_wait3A_290 = tpu.memref_slice %arg4[%multiple_of3A] : memref<320000xi32, #tpu.memory_space<hbm>> -> memref<128xi32, #tpu.memory_space<hbm>>
        %dma_wait3A_291 = tpu.memref_slice %arg4[%multiple_of3A] : memref<320000xi32, #tpu.memory_space<hbm>> -> memref<128xi32, #tpu.memory_space<hbm>>
        tpu.wait_dma2 semaphore(%run_scoped3A : memref<!tpu.dma_semaphore, #tpu.memory_space<semaphore_mem>>) src(%dma_wait3A_291 : memref<128xi32, #tpu.memory_space<hbm>>) dst(%arg7 : memref<128xi32, #tpu.memory_space<vmem>>)
        tpu.yield
      }) : () -> ()
      %dma_wait3A_80 = arith.constant 0 : i32
      %dma_wait3A_81 = arith.constant 0 : i32
      %dma_wait3A_82 = tpu.memref_slice %arg12[%dma_wait3A_80, %dma_wait3A_81] : memref<10240x144xf32, #tpu.memory_space<vmem_shared>> -> memref<10240x144xf32, #tpu.memory_space<vmem_shared>>
      tpu.wait_indirect_dma semaphore(%arg14 : memref<!tpu.dma_semaphore, #tpu.memory_space<semaphore_mem>>) src(%arg11 : memref<128x144xf32, #tpu.memory_space<vmem>>) dst(%dma_wait3A_82 : memref<10240x144xf32, #tpu.memory_space<vmem_shared>>)
      "tpu.region"() ({
        %run_scoped3A = tpu.sem_alloc : memref<!tpu.dma_semaphore, #tpu.memory_space<semaphore_mem>>
        %dma_start3A_288 = tpu.memref_slice %arg5[%multiple_of3A] : memref<320000xi32, #tpu.memory_space<hbm>> -> memref<128xi32, #tpu.memory_space<hbm>>
        %dma_start3A_289 = tpu.memref_slice %arg5[%multiple_of3A] : memref<320000xi32, #tpu.memory_space<hbm>> -> memref<128xi32, #tpu.memory_space<hbm>>
        tpu.enqueue_dma source(%dma_start3A_289 : memref<128xi32, #tpu.memory_space<hbm>>) target(%arg8 : memref<128xi32, #tpu.memory_space<vmem>>) target_semaphore(%run_scoped3A : memref<!tpu.dma_semaphore, #tpu.memory_space<semaphore_mem>>)
        %dma_wait3A_290 = tpu.memref_slice %arg5[%multiple_of3A] : memref<320000xi32, #tpu.memory_space<hbm>> -> memref<128xi32, #tpu.memory_space<hbm>>
        %dma_wait3A_291 = tpu.memref_slice %arg5[%multiple_of3A] : memref<320000xi32, #tpu.memory_space<hbm>> -> memref<128xi32, #tpu.memory_space<hbm>>
        tpu.wait_dma2 semaphore(%run_scoped3A : memref<!tpu.dma_semaphore, #tpu.memory_space<semaphore_mem>>) src(%dma_wait3A_291 : memref<128xi32, #tpu.memory_space<hbm>>) dst(%arg8 : memref<128xi32, #tpu.memory_space<vmem>>)
        tpu.yield
      }) : () -> ()
      %get3A = arith.constant 0 : index
      %get3A_83 = tpu.vector_load %arg7[%get3A] {strides = array<i32>} : memref<128xi32, #tpu.memory_space<vmem>>, vector<16xi32>,
      %get3A_84 = arith.constant 0 : index
      %get3A_85 = tpu.vector_load %arg8[%get3A_84] {strides = array<i32>} : memref<128xi32, #tpu.memory_space<vmem>>, vector<16xi32>,
      %mul3A_86 = arith.constant 2 : i32
      %mul3A_87 = vector.broadcast %mul3A_86 : i32 to vector<16xi32>
      %mul3A_88 = arith.muli %get3A_83, %mul3A_87 : vector<16xi32>
      %gather3A = tpu.vector_load_idx %arg9[%mul3A_88] : memref<20000xf32, #tpu.memory_space<vmem>>[vector<16xi32>], vector<16xf32>,
      %mul3A_89 = arith.constant 2 : i32
      %mul3A_90 = vector.broadcast %mul3A_89 : i32 to vector<16xi32>
      %mul3A_91 = arith.muli %get3A_85, %mul3A_90 : vector<16xi32>
      %add3A_92 = arith.addi %mul3A_91, %broadcast_in_dim3A_27 : vector<16xi32>
      %gather3A_93 = tpu.vector_load_idx %arg9[%add3A_92] : memref<20000xf32, #tpu.memory_space<vmem>>[vector<16xi32>], vector<16xf32>,
      %add3A_94 = arith.addf %gather3A, %gather3A_93 : vector<16xf32>
      %ge3A = arith.constant 0.000000e+00 : f32
      %ge3A_95 = vector.broadcast %ge3A : f32 to vector<16xf32>
      %ge3A_96 = arith.cmpf oge, %add3A_94, %ge3A_95 : vector<16xf32>
      %mul3A_97 = arith.constant 0.00999999977 : f32
      %mul3A_98 = vector.broadcast %mul3A_97 : f32 to vector<16xf32>
      %mul3A_99 = arith.mulf %add3A_94, %mul3A_98 : vector<16xf32>
      %select_n3A_100 = arith.select %ge3A_96, %add3A_94, %mul3A_99 : vector<16xi1>, vector<16xf32>
      %exp3A = math.exp %select_n3A_100 : vector<16xf32>
      %swap3A_101 = arith.constant 0 : index
      %swap3A_102 = tpu.vector_load %arg10[%swap3A_101] {strides = array<i32>} : memref<128xf32, #tpu.memory_space<vmem>>, vector<16xf32>,
      tpu.vector_store %arg10[%swap3A_101], %exp3A {strides = array<i32>} : memref<128xf32, #tpu.memory_space<vmem>>, vector<16xf32>,
      %get3A_103 = arith.constant 16 : index
      %get3A_104 = tpu.vector_load %arg7[%get3A_103] {strides = array<i32>} : memref<128xi32, #tpu.memory_space<vmem>>, vector<16xi32>,
      %get3A_105 = arith.constant 16 : index
      %get3A_106 = tpu.vector_load %arg8[%get3A_105] {strides = array<i32>} : memref<128xi32, #tpu.memory_space<vmem>>, vector<16xi32>,
      %mul3A_107 = arith.constant 2 : i32
      %mul3A_108 = vector.broadcast %mul3A_107 : i32 to vector<16xi32>
      %mul3A_109 = arith.muli %get3A_104, %mul3A_108 : vector<16xi32>
      %gather3A_110 = tpu.vector_load_idx %arg9[%mul3A_109] : memref<20000xf32, #tpu.memory_space<vmem>>[vector<16xi32>], vector<16xf32>,
      %mul3A_111 = arith.constant 2 : i32
      %mul3A_112 = vector.broadcast %mul3A_111 : i32 to vector<16xi32>
      %mul3A_113 = arith.muli %get3A_106, %mul3A_112 : vector<16xi32>
      %add3A_114 = arith.addi %mul3A_113, %broadcast_in_dim3A_27 : vector<16xi32>
      %gather3A_115 = tpu.vector_load_idx %arg9[%add3A_114] : memref<20000xf32, #tpu.memory_space<vmem>>[vector<16xi32>], vector<16xf32>,
      %add3A_116 = arith.addf %gather3A_110, %gather3A_115 : vector<16xf32>
      %ge3A_117 = arith.constant 0.000000e+00 : f32
      %ge3A_118 = vector.broadcast %ge3A_117 : f32 to vector<16xf32>
      %ge3A_119 = arith.cmpf oge, %add3A_116, %ge3A_118 : vector<16xf32>
      %mul3A_120 = arith.constant 0.00999999977 : f32
      %mul3A_121 = vector.broadcast %mul3A_120 : f32 to vector<16xf32>
      %mul3A_122 = arith.mulf %add3A_116, %mul3A_121 : vector<16xf32>
      %select_n3A_123 = arith.select %ge3A_119, %add3A_116, %mul3A_122 : vector<16xi1>, vector<16xf32>
      %exp3A_124 = math.exp %select_n3A_123 : vector<16xf32>
      %swap3A_125 = arith.constant 16 : index
      %swap3A_126 = tpu.vector_load %arg10[%swap3A_125] {strides = array<i32>} : memref<128xf32, #tpu.memory_space<vmem>>, vector<16xf32>,
      tpu.vector_store %arg10[%swap3A_125], %exp3A_124 {strides = array<i32>} : memref<128xf32, #tpu.memory_space<vmem>>, vector<16xf32>,
      %get3A_127 = arith.constant 32 : index
      %get3A_128 = tpu.vector_load %arg7[%get3A_127] {strides = array<i32>} : memref<128xi32, #tpu.memory_space<vmem>>, vector<16xi32>,
      %get3A_129 = arith.constant 32 : index
      %get3A_130 = tpu.vector_load %arg8[%get3A_129] {strides = array<i32>} : memref<128xi32, #tpu.memory_space<vmem>>, vector<16xi32>,
      %mul3A_131 = arith.constant 2 : i32
      %mul3A_132 = vector.broadcast %mul3A_131 : i32 to vector<16xi32>
      %mul3A_133 = arith.muli %get3A_128, %mul3A_132 : vector<16xi32>
      %gather3A_134 = tpu.vector_load_idx %arg9[%mul3A_133] : memref<20000xf32, #tpu.memory_space<vmem>>[vector<16xi32>], vector<16xf32>,
      %mul3A_135 = arith.constant 2 : i32
      %mul3A_136 = vector.broadcast %mul3A_135 : i32 to vector<16xi32>
      %mul3A_137 = arith.muli %get3A_130, %mul3A_136 : vector<16xi32>
      %add3A_138 = arith.addi %mul3A_137, %broadcast_in_dim3A_27 : vector<16xi32>
      %gather3A_139 = tpu.vector_load_idx %arg9[%add3A_138] : memref<20000xf32, #tpu.memory_space<vmem>>[vector<16xi32>], vector<16xf32>,
      %add3A_140 = arith.addf %gather3A_134, %gather3A_139 : vector<16xf32>
      %ge3A_141 = arith.constant 0.000000e+00 : f32
      %ge3A_142 = vector.broadcast %ge3A_141 : f32 to vector<16xf32>
      %ge3A_143 = arith.cmpf oge, %add3A_140, %ge3A_142 : vector<16xf32>
      %mul3A_144 = arith.constant 0.00999999977 : f32
      %mul3A_145 = vector.broadcast %mul3A_144 : f32 to vector<16xf32>
      %mul3A_146 = arith.mulf %add3A_140, %mul3A_145 : vector<16xf32>
      %select_n3A_147 = arith.select %ge3A_143, %add3A_140, %mul3A_146 : vector<16xi1>, vector<16xf32>
      %exp3A_148 = math.exp %select_n3A_147 : vector<16xf32>
      %swap3A_149 = arith.constant 32 : index
      %swap3A_150 = tpu.vector_load %arg10[%swap3A_149] {strides = array<i32>} : memref<128xf32, #tpu.memory_space<vmem>>, vector<16xf32>,
      tpu.vector_store %arg10[%swap3A_149], %exp3A_148 {strides = array<i32>} : memref<128xf32, #tpu.memory_space<vmem>>, vector<16xf32>,
      %get3A_151 = arith.constant 48 : index
      %get3A_152 = tpu.vector_load %arg7[%get3A_151] {strides = array<i32>} : memref<128xi32, #tpu.memory_space<vmem>>, vector<16xi32>,
      %get3A_153 = arith.constant 48 : index
      %get3A_154 = tpu.vector_load %arg8[%get3A_153] {strides = array<i32>} : memref<128xi32, #tpu.memory_space<vmem>>, vector<16xi32>,
      %mul3A_155 = arith.constant 2 : i32
      %mul3A_156 = vector.broadcast %mul3A_155 : i32 to vector<16xi32>
      %mul3A_157 = arith.muli %get3A_152, %mul3A_156 : vector<16xi32>
      %gather3A_158 = tpu.vector_load_idx %arg9[%mul3A_157] : memref<20000xf32, #tpu.memory_space<vmem>>[vector<16xi32>], vector<16xf32>,
      %mul3A_159 = arith.constant 2 : i32
      %mul3A_160 = vector.broadcast %mul3A_159 : i32 to vector<16xi32>
      %mul3A_161 = arith.muli %get3A_154, %mul3A_160 : vector<16xi32>
      %add3A_162 = arith.addi %mul3A_161, %broadcast_in_dim3A_27 : vector<16xi32>
      %gather3A_163 = tpu.vector_load_idx %arg9[%add3A_162] : memref<20000xf32, #tpu.memory_space<vmem>>[vector<16xi32>], vector<16xf32>,
      %add3A_164 = arith.addf %gather3A_158, %gather3A_163 : vector<16xf32>
      %ge3A_165 = arith.constant 0.000000e+00 : f32
      %ge3A_166 = vector.broadcast %ge3A_165 : f32 to vector<16xf32>
      %ge3A_167 = arith.cmpf oge, %add3A_164, %ge3A_166 : vector<16xf32>
      %mul3A_168 = arith.constant 0.00999999977 : f32
      %mul3A_169 = vector.broadcast %mul3A_168 : f32 to vector<16xf32>
      %mul3A_170 = arith.mulf %add3A_164, %mul3A_169 : vector<16xf32>
      %select_n3A_171 = arith.select %ge3A_167, %add3A_164, %mul3A_170 : vector<16xi1>, vector<16xf32>
      %exp3A_172 = math.exp %select_n3A_171 : vector<16xf32>
      %swap3A_173 = arith.constant 48 : index
      %swap3A_174 = tpu.vector_load %arg10[%swap3A_173] {strides = array<i32>} : memref<128xf32, #tpu.memory_space<vmem>>, vector<16xf32>,
      tpu.vector_store %arg10[%swap3A_173], %exp3A_172 {strides = array<i32>} : memref<128xf32, #tpu.memory_space<vmem>>, vector<16xf32>,
      %get3A_175 = arith.constant 64 : index
      %get3A_176 = tpu.vector_load %arg7[%get3A_175] {strides = array<i32>} : memref<128xi32, #tpu.memory_space<vmem>>, vector<16xi32>,
      %get3A_177 = arith.constant 64 : index
      %get3A_178 = tpu.vector_load %arg8[%get3A_177] {strides = array<i32>} : memref<128xi32, #tpu.memory_space<vmem>>, vector<16xi32>,
      %mul3A_179 = arith.constant 2 : i32
      %mul3A_180 = vector.broadcast %mul3A_179 : i32 to vector<16xi32>
      %mul3A_181 = arith.muli %get3A_176, %mul3A_180 : vector<16xi32>
      %gather3A_182 = tpu.vector_load_idx %arg9[%mul3A_181] : memref<20000xf32, #tpu.memory_space<vmem>>[vector<16xi32>], vector<16xf32>,
      %mul3A_183 = arith.constant 2 : i32
      %mul3A_184 = vector.broadcast %mul3A_183 : i32 to vector<16xi32>
      %mul3A_185 = arith.muli %get3A_178, %mul3A_184 : vector<16xi32>
      %add3A_186 = arith.addi %mul3A_185, %broadcast_in_dim3A_27 : vector<16xi32>
      %gather3A_187 = tpu.vector_load_idx %arg9[%add3A_186] : memref<20000xf32, #tpu.memory_space<vmem>>[vector<16xi32>], vector<16xf32>,
      %add3A_188 = arith.addf %gather3A_182, %gather3A_187 : vector<16xf32>
      %ge3A_189 = arith.constant 0.000000e+00 : f32
      %ge3A_190 = vector.broadcast %ge3A_189 : f32 to vector<16xf32>
      %ge3A_191 = arith.cmpf oge, %add3A_188, %ge3A_190 : vector<16xf32>
      %mul3A_192 = arith.constant 0.00999999977 : f32
      %mul3A_193 = vector.broadcast %mul3A_192 : f32 to vector<16xf32>
      %mul3A_194 = arith.mulf %add3A_188, %mul3A_193 : vector<16xf32>
      %select_n3A_195 = arith.select %ge3A_191, %add3A_188, %mul3A_194 : vector<16xi1>, vector<16xf32>
      %exp3A_196 = math.exp %select_n3A_195 : vector<16xf32>
      %swap3A_197 = arith.constant 64 : index
      %swap3A_198 = tpu.vector_load %arg10[%swap3A_197] {strides = array<i32>} : memref<128xf32, #tpu.memory_space<vmem>>, vector<16xf32>,
      tpu.vector_store %arg10[%swap3A_197], %exp3A_196 {strides = array<i32>} : memref<128xf32, #tpu.memory_space<vmem>>, vector<16xf32>,
      %get3A_199 = arith.constant 80 : index
      %get3A_200 = tpu.vector_load %arg7[%get3A_199] {strides = array<i32>} : memref<128xi32, #tpu.memory_space<vmem>>, vector<16xi32>,
      %get3A_201 = arith.constant 80 : index
      %get3A_202 = tpu.vector_load %arg8[%get3A_201] {strides = array<i32>} : memref<128xi32, #tpu.memory_space<vmem>>, vector<16xi32>,
      %mul3A_203 = arith.constant 2 : i32
      %mul3A_204 = vector.broadcast %mul3A_203 : i32 to vector<16xi32>
      %mul3A_205 = arith.muli %get3A_200, %mul3A_204 : vector<16xi32>
      %gather3A_206 = tpu.vector_load_idx %arg9[%mul3A_205] : memref<20000xf32, #tpu.memory_space<vmem>>[vector<16xi32>], vector<16xf32>,
      %mul3A_207 = arith.constant 2 : i32
      %mul3A_208 = vector.broadcast %mul3A_207 : i32 to vector<16xi32>
      %mul3A_209 = arith.muli %get3A_202, %mul3A_208 : vector<16xi32>
      %add3A_210 = arith.addi %mul3A_209, %broadcast_in_dim3A_27 : vector<16xi32>
      %gather3A_211 = tpu.vector_load_idx %arg9[%add3A_210] : memref<20000xf32, #tpu.memory_space<vmem>>[vector<16xi32>], vector<16xf32>,
      %add3A_212 = arith.addf %gather3A_206, %gather3A_211 : vector<16xf32>
      %ge3A_213 = arith.constant 0.000000e+00 : f32
      %ge3A_214 = vector.broadcast %ge3A_213 : f32 to vector<16xf32>
      %ge3A_215 = arith.cmpf oge, %add3A_212, %ge3A_214 : vector<16xf32>
      %mul3A_216 = arith.constant 0.00999999977 : f32
      %mul3A_217 = vector.broadcast %mul3A_216 : f32 to vector<16xf32>
      %mul3A_218 = arith.mulf %add3A_212, %mul3A_217 : vector<16xf32>
      %select_n3A_219 = arith.select %ge3A_215, %add3A_212, %mul3A_218 : vector<16xi1>, vector<16xf32>
      %exp3A_220 = math.exp %select_n3A_219 : vector<16xf32>
      %swap3A_221 = arith.constant 80 : index
      %swap3A_222 = tpu.vector_load %arg10[%swap3A_221] {strides = array<i32>} : memref<128xf32, #tpu.memory_space<vmem>>, vector<16xf32>,
      tpu.vector_store %arg10[%swap3A_221], %exp3A_220 {strides = array<i32>} : memref<128xf32, #tpu.memory_space<vmem>>, vector<16xf32>,
      %get3A_223 = arith.constant 96 : index
      %get3A_224 = tpu.vector_load %arg7[%get3A_223] {strides = array<i32>} : memref<128xi32, #tpu.memory_space<vmem>>, vector<16xi32>,
      %get3A_225 = arith.constant 96 : index
      %get3A_226 = tpu.vector_load %arg8[%get3A_225] {strides = array<i32>} : memref<128xi32, #tpu.memory_space<vmem>>, vector<16xi32>,
      %mul3A_227 = arith.constant 2 : i32
      %mul3A_228 = vector.broadcast %mul3A_227 : i32 to vector<16xi32>
      %mul3A_229 = arith.muli %get3A_224, %mul3A_228 : vector<16xi32>
      %gather3A_230 = tpu.vector_load_idx %arg9[%mul3A_229] : memref<20000xf32, #tpu.memory_space<vmem>>[vector<16xi32>], vector<16xf32>,
      %mul3A_231 = arith.constant 2 : i32
      %mul3A_232 = vector.broadcast %mul3A_231 : i32 to vector<16xi32>
      %mul3A_233 = arith.muli %get3A_226, %mul3A_232 : vector<16xi32>
      %add3A_234 = arith.addi %mul3A_233, %broadcast_in_dim3A_27 : vector<16xi32>
      %gather3A_235 = tpu.vector_load_idx %arg9[%add3A_234] : memref<20000xf32, #tpu.memory_space<vmem>>[vector<16xi32>], vector<16xf32>,
      %add3A_236 = arith.addf %gather3A_230, %gather3A_235 : vector<16xf32>
      %ge3A_237 = arith.constant 0.000000e+00 : f32
      %ge3A_238 = vector.broadcast %ge3A_237 : f32 to vector<16xf32>
      %ge3A_239 = arith.cmpf oge, %add3A_236, %ge3A_238 : vector<16xf32>
      %mul3A_240 = arith.constant 0.00999999977 : f32
      %mul3A_241 = vector.broadcast %mul3A_240 : f32 to vector<16xf32>
      %mul3A_242 = arith.mulf %add3A_236, %mul3A_241 : vector<16xf32>
      %select_n3A_243 = arith.select %ge3A_239, %add3A_236, %mul3A_242 : vector<16xi1>, vector<16xf32>
      %exp3A_244 = math.exp %select_n3A_243 : vector<16xf32>
      %swap3A_245 = arith.constant 96 : index
      %swap3A_246 = tpu.vector_load %arg10[%swap3A_245] {strides = array<i32>} : memref<128xf32, #tpu.memory_space<vmem>>, vector<16xf32>,
      tpu.vector_store %arg10[%swap3A_245], %exp3A_244 {strides = array<i32>} : memref<128xf32, #tpu.memory_space<vmem>>, vector<16xf32>,
      %get3A_247 = arith.constant 112 : index
      %get3A_248 = tpu.vector_load %arg7[%get3A_247] {strides = array<i32>} : memref<128xi32, #tpu.memory_space<vmem>>, vector<16xi32>,
      %get3A_249 = arith.constant 112 : index
      %get3A_250 = tpu.vector_load %arg8[%get3A_249] {strides = array<i32>} : memref<128xi32, #tpu.memory_space<vmem>>, vector<16xi32>,
      %mul3A_251 = arith.constant 2 : i32
      %mul3A_252 = vector.broadcast %mul3A_251 : i32 to vector<16xi32>
      %mul3A_253 = arith.muli %get3A_248, %mul3A_252 : vector<16xi32>
      %gather3A_254 = tpu.vector_load_idx %arg9[%mul3A_253] : memref<20000xf32, #tpu.memory_space<vmem>>[vector<16xi32>], vector<16xf32>,
      %mul3A_255 = arith.constant 2 : i32
      %mul3A_256 = vector.broadcast %mul3A_255 : i32 to vector<16xi32>
      %mul3A_257 = arith.muli %get3A_250, %mul3A_256 : vector<16xi32>
      %add3A_258 = arith.addi %mul3A_257, %broadcast_in_dim3A_27 : vector<16xi32>
      %gather3A_259 = tpu.vector_load_idx %arg9[%add3A_258] : memref<20000xf32, #tpu.memory_space<vmem>>[vector<16xi32>], vector<16xf32>,
      %add3A_260 = arith.addf %gather3A_254, %gather3A_259 : vector<16xf32>
      %ge3A_261 = arith.constant 0.000000e+00 : f32
      %ge3A_262 = vector.broadcast %ge3A_261 : f32 to vector<16xf32>
      %ge3A_263 = arith.cmpf oge, %add3A_260, %ge3A_262 : vector<16xf32>
      %mul3A_264 = arith.constant 0.00999999977 : f32
      %mul3A_265 = vector.broadcast %mul3A_264 : f32 to vector<16xf32>
      %mul3A_266 = arith.mulf %add3A_260, %mul3A_265 : vector<16xf32>
      %select_n3A_267 = arith.select %ge3A_263, %add3A_260, %mul3A_266 : vector<16xi1>, vector<16xf32>
      %exp3A_268 = math.exp %select_n3A_267 : vector<16xf32>
      %swap3A_269 = arith.constant 112 : index
      %swap3A_270 = tpu.vector_load %arg10[%swap3A_269] {strides = array<i32>} : memref<128xf32, #tpu.memory_space<vmem>>, vector<16xf32>,
      tpu.vector_store %arg10[%swap3A_269], %exp3A_268 {strides = array<i32>} : memref<128xf32, #tpu.memory_space<vmem>>, vector<16xf32>,
      %dma_start3A_271 = arith.constant 0 : i32
      %dma_start3A_272 = arith.constant 0 : i32
      %dma_start3A_273 = tpu.memref_slice %arg2[%dma_start3A_271, %dma_start3A_272] : memref<10000x144xf32, #tpu.memory_space<hbm>> -> memref<10000x144xf32, #tpu.memory_space<hbm>>
      tpu.enqueue_indirect_dma source(%dma_start3A_273 : memref<10000x144xf32, #tpu.memory_space<hbm>>) target(%arg11 : memref<128x144xf32, #tpu.memory_space<vmem>>) offsets(%arg7 : memref<128xi32, #tpu.memory_space<vmem>>) semaphore(%arg13 : memref<!tpu.dma_semaphore, #tpu.memory_space<semaphore_mem>>)
      %dma_wait3A_274 = arith.constant 0 : i32
      %dma_wait3A_275 = arith.constant 0 : i32
      %dma_wait3A_276 = tpu.memref_slice %arg2[%dma_wait3A_274, %dma_wait3A_275] : memref<10000x144xf32, #tpu.memory_space<hbm>> -> memref<10000x144xf32, #tpu.memory_space<hbm>>
      tpu.wait_indirect_dma semaphore(%arg13 : memref<!tpu.dma_semaphore, #tpu.memory_space<semaphore_mem>>) src(%dma_wait3A_276 : memref<10000x144xf32, #tpu.memory_space<hbm>>) dst(%arg11 : memref<128x144xf32, #tpu.memory_space<vmem>>)
      %scan3A_277 = arith.constant 0 : i32
      %scan3A_278 = arith.constant 0 : i32
      %scan3A_279 = arith.constant 128 : i32
      %scan3A_280 = arith.addi %scan3A_278, %scan3A_279 : i32
      %scan3A_281 = arith.constant 1 : i32
      %scan3A_282 = scf.for %scan3A_288 = %scan3A_278 to %scan3A_280 step %scan3A_281 iter_args(%scan3A_289 = %scan3A_277) -> (i32)  : i32 {
        %broadcast_in_dim3A_290 = vector.broadcast %scan3A_288 : i32 to vector<16xi32>
        %gather3A_291 = tpu.vector_load_idx %arg10[%broadcast_in_dim3A_290] : memref<128xf32, #tpu.memory_space<vmem>>[vector<16xi32>], vector<16xf32>,
        %get3A_292 = arith.index_cast %scan3A_288 : i32 to index
        %get3A_293 = arith.constant 0 : index
        %get3A_294 = tpu.vector_load %arg11[%get3A_292, %get3A_293] {strides = array<i32>} : memref<128x144xf32, #tpu.memory_space<vmem>>, vector<16xf32>,
        %mul3A_295 = arith.mulf %get3A_294, %gather3A_291 : vector<16xf32>
        %swap3A_296 = arith.index_cast %scan3A_288 : i32 to index
        %swap3A_297 = arith.constant 0 : index
        %swap3A_298 = tpu.vector_load %arg11[%swap3A_296, %swap3A_297] {strides = array<i32>} : memref<128x144xf32, #tpu.memory_space<vmem>>, vector<16xf32>,
        tpu.vector_store %arg11[%swap3A_296, %swap3A_297], %mul3A_295 {strides = array<i32>} : memref<128x144xf32, #tpu.memory_space<vmem>>, vector<16xf32>,
        %get3A_299 = arith.index_cast %scan3A_288 : i32 to index
        %get3A_300 = arith.constant 16 : index
        %get3A_301 = tpu.vector_load %arg11[%get3A_299, %get3A_300] {strides = array<i32>} : memref<128x144xf32, #tpu.memory_space<vmem>>, vector<16xf32>,
        %mul3A_302 = arith.mulf %get3A_301, %gather3A_291 : vector<16xf32>
        %swap3A_303 = arith.index_cast %scan3A_288 : i32 to index
        %swap3A_304 = arith.constant 16 : index
        %swap3A_305 = tpu.vector_load %arg11[%swap3A_303, %swap3A_304] {strides = array<i32>} : memref<128x144xf32, #tpu.memory_space<vmem>>, vector<16xf32>,
        tpu.vector_store %arg11[%swap3A_303, %swap3A_304], %mul3A_302 {strides = array<i32>} : memref<128x144xf32, #tpu.memory_space<vmem>>, vector<16xf32>,
        %get3A_306 = arith.index_cast %scan3A_288 : i32 to index
        %get3A_307 = arith.constant 32 : index
        %get3A_308 = tpu.vector_load %arg11[%get3A_306, %get3A_307] {strides = array<i32>} : memref<128x144xf32, #tpu.memory_space<vmem>>, vector<16xf32>,
        %mul3A_309 = arith.mulf %get3A_308, %gather3A_291 : vector<16xf32>
        %swap3A_310 = arith.index_cast %scan3A_288 : i32 to index
        %swap3A_311 = arith.constant 32 : index
        %swap3A_312 = tpu.vector_load %arg11[%swap3A_310, %swap3A_311] {strides = array<i32>} : memref<128x144xf32, #tpu.memory_space<vmem>>, vector<16xf32>,
        tpu.vector_store %arg11[%swap3A_310, %swap3A_311], %mul3A_309 {strides = array<i32>} : memref<128x144xf32, #tpu.memory_space<vmem>>, vector<16xf32>,
        %get3A_313 = arith.index_cast %scan3A_288 : i32 to index
        %get3A_314 = arith.constant 48 : index
        %get3A_315 = tpu.vector_load %arg11[%get3A_313, %get3A_314] {strides = array<i32>} : memref<128x144xf32, #tpu.memory_space<vmem>>, vector<16xf32>,
        %mul3A_316 = arith.mulf %get3A_315, %gather3A_291 : vector<16xf32>
        %swap3A_317 = arith.index_cast %scan3A_288 : i32 to index
        %swap3A_318 = arith.constant 48 : index
        %swap3A_319 = tpu.vector_load %arg11[%swap3A_317, %swap3A_318] {strides = array<i32>} : memref<128x144xf32, #tpu.memory_space<vmem>>, vector<16xf32>,
        tpu.vector_store %arg11[%swap3A_317, %swap3A_318], %mul3A_316 {strides = array<i32>} : memref<128x144xf32, #tpu.memory_space<vmem>>, vector<16xf32>,
        %get3A_320 = arith.index_cast %scan3A_288 : i32 to index
        %get3A_321 = arith.constant 64 : index
        %get3A_322 = tpu.vector_load %arg11[%get3A_320, %get3A_321] {strides = array<i32>} : memref<128x144xf32, #tpu.memory_space<vmem>>, vector<16xf32>,
        %mul3A_323 = arith.mulf %get3A_322, %gather3A_291 : vector<16xf32>
        %swap3A_324 = arith.index_cast %scan3A_288 : i32 to index
        %swap3A_325 = arith.constant 64 : index
        %swap3A_326 = tpu.vector_load %arg11[%swap3A_324, %swap3A_325] {strides = array<i32>} : memref<128x144xf32, #tpu.memory_space<vmem>>, vector<16xf32>,
        tpu.vector_store %arg11[%swap3A_324, %swap3A_325], %mul3A_323 {strides = array<i32>} : memref<128x144xf32, #tpu.memory_space<vmem>>, vector<16xf32>,
        %get3A_327 = arith.index_cast %scan3A_288 : i32 to index
        %get3A_328 = arith.constant 80 : index
        %get3A_329 = tpu.vector_load %arg11[%get3A_327, %get3A_328] {strides = array<i32>} : memref<128x144xf32, #tpu.memory_space<vmem>>, vector<16xf32>,
        %mul3A_330 = arith.mulf %get3A_329, %gather3A_291 : vector<16xf32>
        %swap3A_331 = arith.index_cast %scan3A_288 : i32 to index
        %swap3A_332 = arith.constant 80 : index
        %swap3A_333 = tpu.vector_load %arg11[%swap3A_331, %swap3A_332] {strides = array<i32>} : memref<128x144xf32, #tpu.memory_space<vmem>>, vector<16xf32>,
        tpu.vector_store %arg11[%swap3A_331, %swap3A_332], %mul3A_330 {strides = array<i32>} : memref<128x144xf32, #tpu.memory_space<vmem>>, vector<16xf32>,
        %get3A_334 = arith.index_cast %scan3A_288 : i32 to index
        %get3A_335 = arith.constant 96 : index
        %get3A_336 = tpu.vector_load %arg11[%get3A_334, %get3A_335] {strides = array<i32>} : memref<128x144xf32, #tpu.memory_space<vmem>>, vector<16xf32>,
        %mul3A_337 = arith.mulf %get3A_336, %gather3A_291 : vector<16xf32>
        %swap3A_338 = arith.index_cast %scan3A_288 : i32 to index
        %swap3A_339 = arith.constant 96 : index
        %swap3A_340 = tpu.vector_load %arg11[%swap3A_338, %swap3A_339] {strides = array<i32>} : memref<128x144xf32, #tpu.memory_space<vmem>>, vector<16xf32>,
        tpu.vector_store %arg11[%swap3A_338, %swap3A_339], %mul3A_337 {strides = array<i32>} : memref<128x144xf32, #tpu.memory_space<vmem>>, vector<16xf32>,
        %get3A_341 = arith.index_cast %scan3A_288 : i32 to index
        %get3A_342 = arith.constant 112 : index
        %get3A_343 = tpu.vector_load %arg11[%get3A_341, %get3A_342] {strides = array<i32>} : memref<128x144xf32, #tpu.memory_space<vmem>>, vector<16xf32>,
        %mul3A_344 = arith.mulf %get3A_343, %gather3A_291 : vector<16xf32>
        %swap3A_345 = arith.index_cast %scan3A_288 : i32 to index
        %swap3A_346 = arith.constant 112 : index
        %swap3A_347 = tpu.vector_load %arg11[%swap3A_345, %swap3A_346] {strides = array<i32>} : memref<128x144xf32, #tpu.memory_space<vmem>>, vector<16xf32>,
        tpu.vector_store %arg11[%swap3A_345, %swap3A_346], %mul3A_344 {strides = array<i32>} : memref<128x144xf32, #tpu.memory_space<vmem>>, vector<16xf32>,
        %get3A_348 = arith.index_cast %scan3A_288 : i32 to index
        %get3A_349 = arith.constant 128 : index
        %get3A_350 = tpu.vector_load %arg11[%get3A_348, %get3A_349] {strides = array<i32>} : memref<128x144xf32, #tpu.memory_space<vmem>>, vector<16xf32>,
        %mul3A_351 = arith.mulf %get3A_350, %gather3A_291 : vector<16xf32>
        %swap3A_352 = arith.index_cast %scan3A_288 : i32 to index
        %swap3A_353 = arith.constant 128 : index
        %swap3A_354 = tpu.vector_load %arg11[%swap3A_352, %swap3A_353] {strides = array<i32>} : memref<128x144xf32, #tpu.memory_space<vmem>>, vector<16xf32>,
        tpu.vector_store %arg11[%swap3A_352, %swap3A_353], %mul3A_351 {strides = array<i32>} : memref<128x144xf32, #tpu.memory_space<vmem>>, vector<16xf32>,
        %scan3A_355 = arith.constant 0 : i32
        scf.yield %scan3A_355 : i32
      }
      %scan3A_283 = arith.constant 128 : i32
      %dma_start3A_284 = arith.constant 0 : i32
      %dma_start3A_285 = arith.constant 0 : i32
      %dma_start3A_286 = tpu.memref_slice %arg12[%dma_start3A_284, %dma_start3A_285] : memref<10240x144xf32, #tpu.memory_space<vmem_shared>> -> memref<10240x144xf32, #tpu.memory_space<vmem_shared>>
      tpu.enqueue_indirect_dma source(%arg11 : memref<128x144xf32, #tpu.memory_space<vmem>>) target(%dma_start3A_286 : memref<10240x144xf32, #tpu.memory_space<vmem_shared>>) offsets(%arg8 : memref<128xi32, #tpu.memory_space<vmem>>) semaphore(%arg14 : memref<!tpu.dma_semaphore, #tpu.memory_space<semaphore_mem>>) {add = true}
      %while3A_287 = arith.constant 0 : i32
      scf.yield %while3A_287 : i32
    }
    %dma_wait3A = arith.constant 0 : i32
    %dma_wait3A_72 = arith.constant 0 : i32
    %dma_wait3A_73 = tpu.memref_slice %arg12[%dma_wait3A, %dma_wait3A_72] : memref<10240x144xf32, #tpu.memory_space<vmem_shared>> -> memref<10240x144xf32, #tpu.memory_space<vmem_shared>>
    tpu.wait_indirect_dma semaphore(%arg14 : memref<!tpu.dma_semaphore, #tpu.memory_space<semaphore_mem>>) src(%arg11 : memref<128x144xf32, #tpu.memory_space<vmem>>) dst(%dma_wait3A_73 : memref<10240x144xf32, #tpu.memory_space<vmem_shared>>)
    %barrier3A_74 = arith.constant 0 : index
    tpu.barrier barrier_id(%barrier3A_74)
    "tpu.region"() ({
      %run_scoped3A = tpu.sem_alloc : memref<!tpu.dma_semaphore, #tpu.memory_space<semaphore_mem>>
      %dma_start3A_75 = arith.constant 0 : i32
      %dma_start3A_76 = tpu.memref_slice %arg6[%arg0, %mul3A_8, %dma_start3A_75] : memref<2x10240x144xf32, #tpu.memory_space<hbm>> -> memref<1x640x144xf32, #tpu.memory_space<hbm>>
      %dma_start3A_77 = tpu.memref_squeeze %dma_start3A_76 : memref<1x640x144xf32, #tpu.memory_space<hbm>> -> memref<640x144xf32, #tpu.memory_space<hbm>>
      %dma_start3A_78 = arith.constant 0 : i32
      %dma_start3A_79 = tpu.memref_slice %arg12[%mul3A_8, %dma_start3A_78] : memref<10240x144xf32, #tpu.memory_space<vmem_shared>> -> memref<640x144xf32, #tpu.memory_space<vmem_shared>>
      tpu.enqueue_dma source(%dma_start3A_79 : memref<640x144xf32, #tpu.memory_space<vmem_shared>>) target(%dma_start3A_77 : memref<640x144xf32, #tpu.memory_space<hbm>>) target_semaphore(%run_scoped3A : memref<!tpu.dma_semaphore, #tpu.memory_space<semaphore_mem>>)
      %dma_wait3A_80 = arith.constant 0 : i32
      %dma_wait3A_81 = tpu.memref_slice %arg6[%arg0, %mul3A_8, %dma_wait3A_80] : memref<2x10240x144xf32, #tpu.memory_space<hbm>> -> memref<1x640x144xf32, #tpu.memory_space<hbm>>
      %dma_wait3A_82 = tpu.memref_squeeze %dma_wait3A_81 : memref<1x640x144xf32, #tpu.memory_space<hbm>> -> memref<640x144xf32, #tpu.memory_space<hbm>>
      %dma_wait3A_83 = arith.constant 0 : i32
      %dma_wait3A_84 = tpu.memref_slice %arg12[%mul3A_8, %dma_wait3A_83] : memref<10240x144xf32, #tpu.memory_space<vmem_shared>> -> memref<640x144xf32, #tpu.memory_space<vmem_shared>>
      tpu.wait_dma2 semaphore(%run_scoped3A : memref<!tpu.dma_semaphore, #tpu.memory_space<semaphore_mem>>) src(%dma_wait3A_84 : memref<640x144xf32, #tpu.memory_space<vmem_shared>>) dst(%dma_wait3A_82 : memref<640x144xf32, #tpu.memory_space<hbm>>)
      tpu.yield
    }) : () -> ()
    return
  }
}

module attributes {stable_mosaic.version = 14 : i64} {
  func.func @_prep_body(%arg0: i32, %arg1: memref<1000x128xf32, #tpu.memory_space<vmem>>, %arg2: memref<128x2xf32, #tpu.memory_space<vmem>>, %arg3: memref<1000x144xf32, #tpu.memory_space<vmem>>, %arg4: memref<1000x2xf32, #tpu.memory_space<vmem>>) attributes {dimension_semantics = [#tpu.dimension_semantics<arbitrary>], iteration_bounds = array<i64: 10>, scalar_prefetch = 0 : i64, scratch_operands = 0 : i64, tpu.core_type = #tpu.core_type<tc>, window_params = [{transform_indices = @transform_0, window_bounds = array<i64: 1000, 128>}, {pipeline_mode = #tpu.pipeline_mode<synchronous>, transform_indices = @transform_1, window_bounds = array<i64: 128, 2>}, {transform_indices = @transform_2, window_bounds = array<i64: 1000, 144>}, {transform_indices = @transform_3, window_bounds = array<i64: 1000, 2>}]} {
    %get3A = arith.constant 0 : index
    %get3A_0 = arith.constant 0 : index
    %get3A_1 = vector.load %arg1[%get3A, %get3A_0] : memref<1000x128xf32, #tpu.memory_space<vmem>>, vector<1000x128xf32>
    %broadcast_in_dim3A = arith.constant 1.000000e+00 : f32
    %broadcast_in_dim3A_2 = vector.broadcast %broadcast_in_dim3A : f32 to vector<1000x1xf32>
    %broadcast_in_dim3A_3 = arith.constant 0.000000e+00 : f32
    %broadcast_in_dim3A_4 = vector.broadcast %broadcast_in_dim3A_3 : f32 to vector<1000x15xf32>
    %concatenate3A = tpu.concatenate %get3A_1, %broadcast_in_dim3A_2, %broadcast_in_dim3A_4 in 1 : vector<1000x128xf32>, vector<1000x1xf32>, vector<1000x15xf32> -> vector<1000x144xf32>
    %swap3A = arith.constant 0 : index
    %swap3A_5 = arith.constant 0 : index
    %swap3A_6 = vector.load %arg3[%swap3A, %swap3A_5] : memref<1000x144xf32, #tpu.memory_space<vmem>>, vector<1000x144xf32>
    tpu.vector_store %arg3[%swap3A, %swap3A_5], %concatenate3A {strides = array<i32>} : memref<1000x144xf32, #tpu.memory_space<vmem>>, vector<1000x144xf32>,
    %get3A_7 = arith.constant 0 : index
    %get3A_8 = arith.constant 0 : index
    %get3A_9 = vector.load %arg2[%get3A_7, %get3A_8] : memref<128x2xf32, #tpu.memory_space<vmem>>, vector<128x2xf32>
    %dot_general3A = arith.constant dense<0.000000e+00> : vector<1000x2xf32>
    %dot_general3A_10 = tpu.matmul %get3A_1, %get3A_9, %dot_general3A {dimension_numbers = #tpu.dot_dimension_numbers<[1], [0], [0], [1], [0, 0, 1, 1], [], []>, transpose_lhs_hint = false} : vector<1000x128xf32>, vector<128x2xf32>, vector<1000x2xf32> -> vector<1000x2xf32>
    %swap3A_11 = arith.constant 0 : index
    %swap3A_12 = arith.constant 0 : index
    %swap3A_13 = vector.load %arg4[%swap3A_11, %swap3A_12] : memref<1000x2xf32, #tpu.memory_space<vmem>>, vector<1000x2xf32>
    tpu.vector_store %arg4[%swap3A_11, %swap3A_12], %dot_general3A_10 {strides = array<i32>} : memref<1000x2xf32, #tpu.memory_space<vmem>>, vector<1000x2xf32>,
    return
  }
  func.func @transform_0(%arg0: i32) -> (i32, i32) {
    %c0_i32 = arith.constant 0 : i32
    %c0_i32_0 = arith.constant 0 : i32
    return %arg0, %c0_i32 : i32, i32
  }
  func.func @transform_1(%arg0: i32) -> (i32, i32) {
    %c0_i32 = arith.constant 0 : i32
    %c0_i32_0 = arith.constant 0 : i32
    %c0_i32_1 = arith.constant 0 : i32
    return %c0_i32, %c0_i32_0 : i32, i32
  }
  func.func @transform_2(%arg0: i32) -> (i32, i32) {
    %c0_i32 = arith.constant 0 : i32
    %c0_i32_0 = arith.constant 0 : i32
    return %arg0, %c0_i32 : i32, i32
  }
  func.func @transform_3(%arg0: i32) -> (i32, i32) {
    %c0_i32 = arith.constant 0 : i32
    %c0_i32_0 = arith.constant 0 : i32
    return %arg0, %c0_i32 : i32, i32
  }
}

module attributes {stable_mosaic.version = 14 : i64} {
  func.func @_finish_body(%arg0: i32, %arg1: memref<2x1000x144xf32, #tpu.memory_space<vmem>>, %arg2: memref<128x128xf32, #tpu.memory_space<vmem>>, %arg3: memref<1x128xf32, #tpu.memory_space<vmem>>, %arg4: memref<1000x128xf32, #tpu.memory_space<vmem>>) attributes {dimension_semantics = [#tpu.dimension_semantics<arbitrary>], iteration_bounds = array<i64: 10>, scalar_prefetch = 0 : i64, scratch_operands = 0 : i64, tpu.core_type = #tpu.core_type<tc>, window_params = [{transform_indices = @transform_0, window_bounds = array<i64: 2, 1000, 144>}, {pipeline_mode = #tpu.pipeline_mode<synchronous>, transform_indices = @transform_1, window_bounds = array<i64: 128, 128>}, {pipeline_mode = #tpu.pipeline_mode<synchronous>, transform_indices = @transform_2, window_bounds = array<i64: 1, 128>}, {transform_indices = @transform_3, window_bounds = array<i64: 1000, 128>}]} {
    %get3A = arith.constant 0 : index
    %get3A_0 = arith.constant 0 : index
    %get3A_1 = arith.constant 0 : index
    %get3A_2 = vector.load %arg1[%get3A, %get3A_0, %get3A_1] : memref<2x1000x144xf32, #tpu.memory_space<vmem>>, vector<1x1000x144xf32>
    %get3A_3 = vector.shape_cast %get3A_2 : vector<1x1000x144xf32> to vector<1000x144xf32>
    %get3A_4 = arith.constant 1 : index
    %get3A_5 = arith.constant 0 : index
    %get3A_6 = arith.constant 0 : index
    %get3A_7 = vector.load %arg1[%get3A_4, %get3A_5, %get3A_6] : memref<2x1000x144xf32, #tpu.memory_space<vmem>>, vector<1x1000x144xf32>
    %get3A_8 = vector.shape_cast %get3A_7 : vector<1x1000x144xf32> to vector<1000x144xf32>
    %add3A = arith.addf %get3A_3, %get3A_8 : vector<1000x144xf32>
    %slice3A = vector.extract_strided_slice %add3A {offsets = [0, 0], sizes = [1000, 128], strides = [1, 1]} : vector<1000x144xf32> to vector<1000x128xf32>
    %slice3A_9 = vector.extract_strided_slice %add3A {offsets = [0, 128], sizes = [1000, 1], strides = [1, 1]} : vector<1000x144xf32> to vector<1000x1xf32>
    %add3A_10 = arith.constant 9.99999971E-10 : f32
    %add3A_11 = vector.broadcast %add3A_10 : f32 to vector<1000x1xf32>
    %add3A_12 = arith.addf %slice3A_9, %add3A_11 : vector<1000x1xf32>
    %div3A = arith.constant 1.000000e+00 : f32
    %div3A_13 = vector.broadcast %div3A : f32 to vector<1000x1xf32>
    %div3A_14 = arith.divf %div3A_13, %add3A_12 : vector<1000x1xf32>
    %mul3A = vector.broadcast %div3A_14 : vector<1000x1xf32> to vector<1000x128xf32>
    %mul3A_15 = arith.mulf %slice3A, %mul3A : vector<1000x128xf32>
    %get3A_16 = arith.constant 0 : index
    %get3A_17 = arith.constant 0 : index
    %get3A_18 = vector.load %arg2[%get3A_16, %get3A_17] : memref<128x128xf32, #tpu.memory_space<vmem>>, vector<128x128xf32>
    %dot_general3A = arith.constant dense<0.000000e+00> : vector<1000x128xf32>
    %dot_general3A_19 = tpu.matmul %mul3A_15, %get3A_18, %dot_general3A {dimension_numbers = #tpu.dot_dimension_numbers<[1], [0], [0], [1], [0, 0, 1, 1], [], []>, transpose_lhs_hint = false} : vector<1000x128xf32>, vector<128x128xf32>, vector<1000x128xf32> -> vector<1000x128xf32>
    %get3A_20 = arith.constant 0 : index
    %get3A_21 = arith.constant 0 : index
    %get3A_22 = vector.load %arg3[%get3A_20, %get3A_21] : memref<1x128xf32, #tpu.memory_space<vmem>>, vector<1x128xf32>
    %add3A_23 = vector.broadcast %get3A_22 : vector<1x128xf32> to vector<1000x128xf32>
    %add3A_24 = arith.addf %dot_general3A_19, %add3A_23 : vector<1000x128xf32>
    %swap3A = arith.constant 0 : index
    %swap3A_25 = arith.constant 0 : index
    %swap3A_26 = vector.load %arg4[%swap3A, %swap3A_25] : memref<1000x128xf32, #tpu.memory_space<vmem>>, vector<1000x128xf32>
    tpu.vector_store %arg4[%swap3A, %swap3A_25], %add3A_24 {strides = array<i32>} : memref<1000x128xf32, #tpu.memory_space<vmem>>, vector<1000x128xf32>,
    return
  }
  func.func @transform_0(%arg0: i32) -> (i32, i32, i32) {
    %c0_i32 = arith.constant 0 : i32
    %c0_i32_0 = arith.constant 0 : i32
    %c0_i32_1 = arith.constant 0 : i32
    return %c0_i32, %arg0, %c0_i32_0 : i32, i32, i32
  }
  func.func @transform_1(%arg0: i32) -> (i32, i32) {
    %c0_i32 = arith.constant 0 : i32
    %c0_i32_0 = arith.constant 0 : i32
    %c0_i32_1 = arith.constant 0 : i32
    return %c0_i32, %c0_i32_0 : i32, i32
  }
  func.func @transform_2(%arg0: i32) -> (i32, i32) {
    %c0_i32 = arith.constant 0 : i32
    %c0_i32_0 = arith.constant 0 : i32
    %c0_i32_1 = arith.constant 0 : i32
    return %c0_i32, %c0_i32_0 : i32, i32
  }
  func.func @transform_3(%arg0: i32) -> (i32, i32) {
    %c0_i32 = arith.constant 0 : i32
    %c0_i32_0 = arith.constant 0 : i32
    return %arg0, %c0_i32 : i32, i32
  }
}

</mosaic_0001>

<sc_bundles>
// kernel: kernel.5.cloned.1.call-start
scs
__scs_entry_jumppad:
0x0: {  	(pc) =	sbr.rel $0x88, $3  }
0x1: {  	(tag) =	ssettag $0x0;
	lr =	simm.s32 $0x1  }
0x2: {  	[smem:$0x3F9B] =	sst lr;
	_ =	strace $0xD0000000  }
0x3: {  	_ = 	snop  }
0x4: {  	_ = 	snop  }
0x5: {  	_ = 	snop  }
0x6: {  	_ = 	snop  }
0x7: {  	_ = 	snop  }
__scs_overlays_trampoline_lowered:
0x8: {  	[smem:$0x3FAA] =	sst s0  }
0x9: {  	[smem:$0x3FAB] =	sst s1  }
0xa: {  	[smem:$0x3FAC] =	sst s2  }
0xb: {  	[smem:$0x3FAD] =	sst s3  }
0xc: {  	[smem:$0x3FAE] =	sst s4  }
0xd: {  	[smem:$0x3FAF] =	sst s5  }
0xe: {  	[smem:$0x3FB0] =	sst s6  }
0xf: {  	[smem:$0x3FB1] =	sst s7  }
0x10: {  	[smem:$0x3FB2] =	sst s8  }
0x11: {  	[smem:$0x3FB3] =	sst s9;
	s0 =	simm.s32 @!p0 $0x0  }
0x12: {  	s1 =	sld [smem:$0x3F99];
	s0 =	simm.s32 @p0 $0x1  }
0x13: {  	[smem:$0x3FB4] =	sst s0;
	s0 =	simm.s32 @!p1 $0x0  }
0x14: {  	s2 =	sld [smem:$0x3F98];
	s0 =	simm.s32 @p1 $0x1  }
0x15: {  	[smem:$0x3FB5] =	sst s0;
	s0 =	simm.s32 @!p2 $0x0  }
0x16: {  	s3 =	sld [smem:$0x3FDB];
	s0 =	simm.s32 @p2 $0x1  }
0x17: {  	s4 =	simm.s32 $0x1BF5;
	[smem:$0x3FB7] =	sst s0  }
0x18: {  	s0 =	sld [smem:$0x3F9A];
	_ =	swait.ge [sflag:s4], $0x0  }
0x19: {  	s7 =	sld [smem:$0x3F9B]  }
0x1a: {  	s8 =	sadd.s32 $0xFFFFE003, lr  }
0x1b: {  	s9 =	sadd.s32 $0xFFFFFEF7, lr;
	s5 =	simm.s32 $0xFFFFFFFF;
	p2 =	slt.u32 s8, $0xFFFFF086  }
0x1c: {  	p1 =	slt.u32 s9, $0xF7A;
	s5 =	simm.s32 @!p2 $0x0  }
0x1d: {  	s5 =	simm.s32 @p1 $0x1;
	p0 =	seq.s32 s7, s2  }
0x1e: {  	s7 =	smul.u32 @!p0 $0xF7A, s2;
	p2 =	seq.s32 @!p0 s5, $0x0  }
0x1f: {  	s9 =	smul.u32 $0xF7A, s1;
	s8 =	simm.s32 @!p0 $0x1BF5;
	p2 =	por !p2, p0  }
0x20: {  	[sflag:s8] =	ssyncset.s32 @!p0 $0xFFFFF086;
	s6 =	sadd.s32 @!p0 s3, s7;
	s7 =	simm.s32 @!p0 $0x108  }
0x21: {  	s3 =	sadd.s32 s3, s9;
	s6 =	sadd.s32 @!p0 $0x88, s6;
	s7 =	simm.s32 @p2 $0x1082  }
0x22: {  	[simem:s7], [sflag:s8] =	dma.local @!p0 [hbm:s6], $0xF7A  }
0x23: {  	s9 =	sor.u32 $0xD0000000, s2;
	s6 =	simm.s32 $0x108;
	_ =	swait.ge @!p0 [sflag:s8], $0x0  }
0x24: {  	s3 =	sadd.s32 $0x88, s3;
	s6 =	simm.s32 @!p1 $0x1082;
	[sflag:s4] =	ssyncset.s32 $0xFFFFF086  }
0x25: {  	[simem:s6], [sflag:s4] =	dma.local [hbm:s3], $0xF7A  }
0x26: {  	[smem:$0x3F9B] =	sst s1;
	(tag) =	ssettag s2;
	_ =	strace s9  }
0x27: {  	s1 =	sld [smem:$0x3FAB]  }
0x28: {  	s2 =	sld [smem:$0x3FAC]  }
0x29: {  	s4 =	sld [smem:$0x3FAE]  }
0x2a: {  	p0 =	seq.s32 s5, $0x0;
	s5 =	sld [smem:$0x3FAF]  }
0x2b: {  	s6 =	sld [smem:$0x3FB0]  }
0x2c: {  	s7 =	sld [smem:$0x3FB1]  }
0x2d: {  	s3 =	simm.s32 $0x108;
	s8 =	sld [smem:$0x3FB2]  }
0x2e: {  	s3 =	simm.s32 @!p0 $0x1082;
	s9 =	sld [smem:$0x3FB3]  }
0x2f: {  	lr =	sadd.s32 s0, s3;
	s0 =	sld [smem:$0x3FAA]  }
0x30: {  	s3 =	sld [smem:$0x3FAD]  }
0x31: {  	[smem:$0x3FB6] =	sst s10  }
0x32: {  	s10 =	sld [smem:$0x3FB4];
	_ =	sdelay $0x3  }
0x33: {  	p0 =	seq.s32 s10, $0x1;
	s10 =	sld [smem:$0x3FB6];
	_ =	sdelay $0x3  }
0x34: {  	[smem:$0x3FB6] =	sst s10  }
0x35: {  	s10 =	sld [smem:$0x3FB5];
	_ =	sdelay $0x3  }
0x36: {  	p1 =	seq.s32 s10, $0x1;
	s10 =	sld [smem:$0x3FB6];
	_ =	sdelay $0x3  }
0x37: {  	[smem:$0x3FB6] =	sst s10  }
0x38: {  	s10 =	sld [smem:$0x3FB7]  }
0x39: {  	_ = 	snop;
	(pc) =	sbr.ind lr, $3  }
0x3a: {  	_ = 	snop  }
0x3b: {  	_ = 	snop  }
0x3c: {  	p2 =	seq.s32 s10, $0x1;
	s10 =	sld [smem:$0x3FB6]  }
0x3d: {  	_ =	shalt  }
0x3e: {  	_ =	shalt  }
0x3f: {  	_ =	shalt  }
0x40: {  	_ =	shalt  }
0x41: {  	_ =	shalt  }
0x42: {  	_ =	shalt  }
0x43: {  	_ =	shalt  }
0x44: {  	_ =	shalt  }
0x45: {  	_ =	shalt  }
0x46: {  	_ =	shalt  }
0x47: {  	_ =	shalt  }
0x48: {  	_ =	shalt  }
0x49: {  	_ =	shalt  }
0x4a: {  	_ =	shalt  }
0x4b: {  	_ =	shalt  }
0x4c: {  	_ =	shalt  }
0x4d: {  	_ =	shalt  }
0x4e: {  	_ =	shalt  }
0x4f: {  	_ =	shalt  }
0x50: {  	_ =	shalt  }
0x51: {  	_ =	shalt  }
0x52: {  	_ =	shalt  }
0x53: {  	_ =	shalt  }
0x54: {  	_ =	shalt  }
0x55: {  	_ =	shalt  }
0x56: {  	_ =	shalt  }
0x57: {  	_ =	shalt  }
0x58: {  	_ =	shalt  }
0x59: {  	_ =	shalt  }
0x5a: {  	_ =	shalt  }
0x5b: {  	_ =	shalt  }
0x5c: {  	_ =	shalt  }
0x5d: {  	_ =	shalt  }
0x5e: {  	_ =	shalt  }
0x5f: {  	_ =	shalt  }
0x60: {  	_ =	shalt  }
0x61: {  	_ =	shalt  }
0x62: {  	_ =	shalt  }
0x63: {  	_ =	shalt  }
0x64: {  	_ =	shalt  }
0x65: {  	_ =	shalt  }
0x66: {  	_ =	shalt  }
0x67: {  	_ =	shalt  }
0x68: {  	_ =	shalt  }
0x69: {  	_ =	shalt  }
0x6a: {  	_ =	shalt  }
0x6b: {  	_ =	shalt  }
0x6c: {  	_ =	shalt  }
0x6d: {  	_ =	shalt  }
0x6e: {  	_ =	shalt  }
0x6f: {  	_ =	shalt  }
0x70: {  	_ =	shalt  }
0x71: {  	_ =	shalt  }
0x72: {  	_ =	shalt  }
0x73: {  	_ =	shalt  }
0x74: {  	_ =	shalt  }
0x75: {  	_ =	shalt  }
0x76: {  	_ =	shalt  }
0x77: {  	_ =	shalt  }
0x78: {  	_ =	shalt  }
0x79: {  	_ =	shalt  }
0x7a: {  	_ =	shalt  }
0x7b: {  	_ =	shalt  }
0x7c: {  	_ =	shalt  }
0x7d: {  	_ =	shalt  }
0x7e: {  	_ =	shalt  }
0x7f: {  	_ =	shalt  }
0x80: {  	_ =	shalt  }
0x81: {  	_ =	shalt  }
0x82: {  	_ =	shalt  }
0x83: {  	_ =	shalt  }
0x84: {  	_ =	shalt  }
0x85: {  	_ =	shalt  }
0x86: {  	_ =	shalt  }
0x87: {  	_ =	shalt  }
.Lfunc_end0:
.L_simem_size_0:
called_computation_lowered:
.L_overlay_start_0:
0x88: {  	s2 =	sld [smem:$0x3FD9]  }
0x89: {  	s3 =	sld [smem:$0x3FFE];
	_ =	sdelay $0x1  }
0x8a: {  	s1 =	srdreg.scid  }
0x8b: {  	s0 =	sand.u32 $0x1, s1  }
0x8c: {  	s17 =	sshll.u32 s0, $0xA;
	s2 =	sadd.s32 s3, s2  }
0x8d: {  	s2 =	sadd.s32 s2, s17  }
0x8e: {  	[smem:$0x3FC2] =	sst s2  }
0x8f: {  	_ = 	snop  }
0x90: {  	s2 =	sld [smem:$0x3FD0];
	(tm) =	ssettm $0x1  }
0x91: {  	s18 =	sld [smem:$0x3FFB];
	_ =	sdelay $0x3  }
0x92: {  	_ =	strace s18  }
0x93: {  	s3 =	sld [smem:$0x3FFC];
	_ =	sdelay $0x3  }
0x94: {  	_ =	strace s3  }
0x95: {  	s3 =	sld [smem:$0x3FFD];
	_ =	sdelay $0x3  }
0x96: {  	_ =	strace s3  }
0x97: {  	_ =	strace $0x8FFFFFFF  }
0x98: {  	s19 =	sld [smem:$0x3FDB];
	_ =	sdelay $0x1  }
0x99: {  	s4 =	simm.s32 $_scs_section_size  }
0x9a: {  	s5 =	simm.s32 $_size__tile_overlayer_lowered;
	s6 =	simm.s32 $_tile_overlayer_lowered  }
0x9b: {  	s22 =	simm.s32 $0x1BFF;
	s21 =	sshll.u32 s6, $0x1;
	s3 =	sadd.s32 s4, s19  }
0x9c: {  	s7 =	simm.s32 $0x0;
	s20 =	sshll.u32 s5, $0x1;
	s5 =	sadd.s32 s21, s3  }
0x9d: {  	[timem:s7], [sflag:s22] =	dma.local [hbm:s5], s20  }
0x9e: {  	_ =	swait.ge [sflag:s22], s20  }
0x9f: {  	s4 =	ssub.s32 $0x0, s20;
	[sflag:s22] =	ssyncset.done $0x0  }
0xa0: {  	[sflag:s22] =	ssyncadd.s32 s4;
	_ =	sdelay $0x1  }
0xa1: {  	s23 =	simm.s32 $0x1B8B  }
0xa2: {  	_ =	swait.ge [sflag:s23], $0x1  }
0xa3: {  	[sflag:s23] =	ssyncset.done $0x0  }
0xa4: {  	s25 =	simm.s32 $0x1B8E;
	s24 =	sld [smem:$0x3FFE];
	[sflag:s23] =	ssyncadd.s32 $0xFFFFFFFF  }
0xa5: {  	s26 =	simm.s32 $execute0_lowered;
	[smem:$0x3FD2] =	sst s25  }
0xa6: {  	s5 =	sshll.u32 s26, $0x1;
	_ =	strace $0x80000046;
	[dreg:$0x1] =	wrdreg $0xFFFFFFFF  }
0xa7: {  	s28 =	simm.s32 $_size_execute0_lowered;
	s3 =	sadd.s32 s3, s5;
	[dreg:$0x0] =	wrdreg $0x0  }
0xa8: {  	s5 =	sshll.u32 s28, $0x1;
	[dreg:$0x2] =	wrdreg s3  }
0xa9: {  	[dreg:$0x3] =	wrdreg s5  }
0xaa: {  	[dreg:$0x4] =	wrdreg $0xC0  }
0xab: {  	_ =	task [dreg:s7], $0x5FFFF  }
0xac: {  	[dreg:$0x1] =	wrdreg $0xFFFFFFFF  }
0xad: {  	[dreg:$0x0] =	wrdreg $0x60  }
0xae: {  	[dreg:$0x2] =	wrdreg s24  }
0xaf: {  	[dreg:$0x3] =	wrdreg s2  }
0xb0: {  	[dreg:$0x4] =	wrdreg $0x97A00  }
0xb1: {  	[dreg:$0x5] =	wrdreg $0x9  }
0xb2: {  	_ =	task.clear_ibuf [dreg:s7], $0x6FFFF;
	_ =	strace $0x90000046  }
0xb3: {  	s29 =	simm.s32 $0x9;
	_ =	strace $0x80000048  }
0xb4: {  	_ =	swait.ge [sflag:s29], $0x1  }
0xb5: {  	[sflag:s29] =	ssyncadd.s32 $0xFFFFFFFF  }
0xb6: {  	_ =	strace $0x90000048  }
0xb7: {  	_ =	sfence  }
0xb8: {  	s30 =	sld [smem:$0x0];
	_ =	sdelay $0x2  }
0xb9: {  	s31 =	sshll.u32 s1, $0xD;
	s1 =	sshrl.u32 s1, $0x2  }
0xba: {  	s3 =	sand.u32 $0x4000, s31;
	s1 =	sadd.s32 s1, s30  }
0xbb: {  	s0 =	sor.u32 s3, s0;
	s1 =	sshll.u32 s1, $0x11  }
0xbc: {  	s0 =	sor.u32 s1, s0  }
0xbd: {  	s0 =	sadd.s32 $0x8F2B, s0  }
0xbe: {  	[sflag:s0] =	ssyncadd.remote.s32 $0x1  }
0xbf: {  	_ =	sfence.sel $0xFFFF  }
0xc0: {  	[dreg:$0x0] =	wrdreg $0xFFFFFFFF;
	(pc) =	sbr.abs _section_cstart, $3  }
0xc1: {  	[dreg:$0x1] =	wrdreg $0xFFFFFFFF  }
0xc2: {  	_ =	task.clear_ibuf [dreg:s7], $0x2FFFF;
	_ =	strace $0x9FFFFFFF  }
0xc3: {  	(tm) =	ssettm $0x7FFFFFFF  }
tec
execute0_lowered:
.L_overlay_start_1:
0x0: {  	(tag) =	ssettag $0x1  }
0x1: {  	s8 =	rddreg [dreg:$0x0]  }
0x2: {  	s2 =	rddreg [dreg:$0x1];
	s1 =	srdreg.scid  }
0x3: {  	s0 =	stileid.u32;
	s3 =	rddreg [dreg:$0x2]  }
0x4: {  	s4 =	simm.s32 $0x0;
	s18 =	simm.s32 $0x3;
	s19 =	simm.s32 $0x4FA0  }
0x5: {  	s20 =	simm.s32 $0x80;
	s21 =	simm.s32 $0x2;
	s22 =	simm.s32 $0x1  }
0x6: {  	s23 =	simm.s32 $0x4F20;
	s24 =	simm.s32 $0x0;
	s10 =	smul.u32 $0x16800, s0  }
0x7: {  	s9 =	sand.u32 $0x1, s1;
	s1 =	rddreg [dreg:$0x3];
	s12 =	smul.u32 $0x5A000, s0  }
0x8: {  	[smem:$0x7FF] =	sst s4;
	s5 =	sadd.s32 $0xA600, s8;
	s6 =	smul.u32 $0x168000, s9  }
0x9: {  	_ =	strace $0x80000047;
	s30 =	ssub.s32 $0x2, s9;
	s9 =	sshll.u32 s9, $0x4  }
0xa: {  	s31 =	sshrl.u32 s30, $0x1;
	s12 =	sshrl.u32 s12, $0x2;
	s13 =	sor.u32 s0, s9  }
0xb: {  	s7 =	sadd.s32 s10, s6;
	s6 =	sadd.s32 $0x36600, s8;
	s16 =	ssub.s32 s30, s31  }
0xc: {  	s12 =	sadd.s32 s12, s3;
	s14 =	smul.u32 $0x4E, s13;
	s17 =	smin.u32 s13, $0x4  }
0xd: {  	p0 =	slt.u32 s13, $0x4;
	s13 =	simm.s32 $0x4F;
	s11 =	sshrl.u32 s7, $0x3  }
0xe: {  	s7 =	sadd.s32 $0x800, s8;
	s9 =	sadd.s32 $0x4800, s12;
	s13 =	simm.s32 @!p0 $0x4E  }
0xf: {  	s16 =	smax.u32 s16, $0x1;
	s15 =	sadd.s32 s11, s8;
	s8 =	sadd.s32 s10, s3  }
0x10: {  	s10 =	sadd.s32 $0x9000, s12;
	s11 =	sadd.s32 $0xD800, s12;
	s12 =	sadd.s32 $0x12000, s12  }
0x11: {  	v0 =	vimm.f32 $0.0e+00;
	v1 =	vimm.s32 $0x0;
	s14 =	sadd.s32 s17, s14;
	s17 =	simm.s32 $0x100;
	s15 =	sadd.s32 $0x37000, s15  }
.LBB2_1:
0x12: {  	[tilespmem:s17], [sflag:$0x3] =	stream.linear.gather [hbm4b:s6+s4], $0x4E20, $0x38;
	[tilespmem:$0x1FFA0] =	vst v63  }
0x13: {  	_ =	swait.ge [sflag:s18], $0x4E20  }
0x14: {  	[sflag:s18] =	ssyncset.done $0x0  }
0x15: {  	s25 =	simm.s32 $0x0;
	s26 =	simm.s32 $0x240;
	[sflag:s18] =	ssyncadd.s32 $0xFFFFB1E0  }
.LBB2_2:
0x16: {  	p0 =	sne.s32 s26, $0x11DC0;
	[tilespmem:s25+$0x5020] =	vst v0  }
0x17: {  	[tilespmem:s25+$0x4FA0] =	vst v0  }
0x18: {  	[tilespmem:s25+$0x4FB0] =	vst v0  }
0x19: {  	[tilespmem:s25+$0x4FC0] =	vst v0  }
.Ltmp0:
0x1a: {  	[tilespmem:s25+$0x4FD0] =	vst v0;
	(pc) =	sbr.rel @p0 .LBB2_2-.Ltmp0, $4  }
0x1b: {  	[tilespmem:s25+$0x4FE0] =	vst v0  }
0x1c: {  	[tilespmem:s25+$0x4FF0] =	vst v0  }
0x1d: {  	[tilespmem:s25+$0x5000] =	vst v0  }
0x1e: {  	[tilespmem:s25+$0x5010] =	vst v0;
	s25 =	sshra.s32 s26, $0x2;
	s26 =	sadd.s32 $0x240, s26  }
0x1f: {  	[tilespmem:s25+$0x5020] =	vst v0  }
0x20: {  	[tilespmem:s25+$0x4FA0] =	vst v0  }
0x21: {  	[tilespmem:s25+$0x4FB0] =	vst v0  }
0x22: {  	[tilespmem:s25+$0x4FC0] =	vst v0  }
0x23: {  	[tilespmem:s25+$0x4FD0] =	vst v0  }
0x24: {  	[tilespmem:s25+$0x4FE0] =	vst v0  }
0x25: {  	[tilespmem:s25+$0x4FF0] =	vst v0  }
0x26: {  	[tilespmem:s25+$0x5000] =	vst v0  }
0x27: {  	[tilespmem:s25+$0x5010] =	vst v0  }
0x28: {  	[spmem:s8] =	stream.linear.scatter [tilespmem:s19], [sflag:$0x3], $0x4800, $0x38;
	[tilespmem:$0x1FFA0] =	vst v63  }
0x29: {  	_ =	swait.ge [sflag:s18], $0x4800  }
0x2a: {  	[sflag:s18] =	ssyncset.done $0x0  }
0x2b: {  	[sflag:s18] =	ssyncadd.s32 $0xFFFFB800  }
0x2c: {  	[spmem:s9] =	stream.linear.scatter [tilespmem:s19], [sflag:$0x3], $0x4800, $0x38;
	[tilespmem:$0x1FFA0] =	vst v63  }
0x2d: {  	_ =	swait.ge [sflag:s18], $0x4800  }
0x2e: {  	[sflag:s18] =	ssyncset.done $0x0  }
0x2f: {  	[sflag:s18] =	ssyncadd.s32 $0xFFFFB800  }
0x30: {  	[spmem:s10] =	stream.linear.scatter [tilespmem:s19], [sflag:$0x3], $0x4800, $0x38;
	[tilespmem:$0x1FFA0] =	vst v63  }
0x31: {  	_ =	swait.ge [sflag:s18], $0x4800  }
0x32: {  	[sflag:s18] =	ssyncset.done $0x0  }
0x33: {  	[sflag:s18] =	ssyncadd.s32 $0xFFFFB800  }
0x34: {  	[spmem:s11] =	stream.linear.scatter [tilespmem:s19], [sflag:$0x3], $0x4800, $0x38;
	[tilespmem:$0x1FFA0] =	vst v63  }
0x35: {  	_ =	swait.ge [sflag:s18], $0x4800  }
0x36: {  	[sflag:s18] =	ssyncset.done $0x0  }
0x37: {  	[sflag:s18] =	ssyncadd.s32 $0xFFFFB800  }
0x38: {  	[spmem:s12] =	stream.linear.scatter [tilespmem:s19], [sflag:$0x3], $0x4800, $0x38;
	[tilespmem:$0x1FFA0] =	vst v63  }
0x39: {  	_ =	swait.ge [sflag:s18], $0x4800  }
0x3a: {  	[sflag:s18] =	ssyncset.done $0x0  }
0x3b: {  	[sflag:s18] =	ssyncadd.s32 $0xFFFFB800  }
0x3c: {  	[bflag:$0x0] =	sbarrier.arrive $0xFFFF  }
0x3d: {  	[tilespmem:$0x80] =	vst v1  }
0x3e: {  	[tilespmem:$0x90] =	vst v1  }
0x3f: {  	[tilespmem:$0xA0] =	vst v1  }
0x40: {  	[tilespmem:$0xB0] =	vst v1  }
0x41: {  	[tilespmem:$0xC0] =	vst v1  }
0x42: {  	[tilespmem:$0xD0] =	vst v1  }
0x43: {  	[tilespmem:$0xE0] =	vst v1  }
0x44: {  	s25 =	simm.s32 $0x0;
	s26 =	simm.s32 $0x0;
	[tilespmem:$0xF0] =	vst v1  }
0x45: {  	[spmem:s3] =	stream.indirect.scatter.add.f32 [tilespmem:s19], [sflag:$0x2], $0x90, s20, s20, $0xb8;
	[tilespmem:$0x1FFA0] =	vst v63  }
.LBB2_4:
0x46: {  	s28 =	sadd.s32 s26, s14  }
0x47: {  	s28 =	sshll.u32 s28, $0x4  }
0x48: {  	s28 =	sand.u32 $0x1FFFFFF0, s28  }
0x49: {  	s29 =	sadd.s32 s7, s28  }
0x4a: {  	[tilespmem:s25], [sflag:$0x3] =	stream.linear.gather [hbm4b:s29+s25], $0x80, $0x38;
	[tilespmem:$0x1FFA0] =	vst v63  }
0x4b: {  	_ =	swait.ge [sflag:s18], $0x80  }
0x4c: {  	[sflag:s18] =	ssyncset.done $0x0  }
0x4d: {  	[sflag:s18] =	ssyncadd.s32 $0xFFFFFF80  }
0x4e: {  	_ =	swait.ge [sflag:s21], $0x4800  }
0x4f: {  	[sflag:s21] =	ssyncset.done $0x0  }
0x50: {  	s28 =	sadd.s32 s2, s28;
	[sflag:s21] =	ssyncadd.s32 $0xFFFFB800  }
0x51: {  	[tilespmem:s20], [sflag:$0x3] =	stream.linear.gather [hbm4b:s28+s25], $0x80, $0x38;
	[tilespmem:$0x1FFA0] =	vst v63  }
0x52: {  	_ =	swait.ge [sflag:s18], $0x80  }
0x53: {  	[sflag:s18] =	ssyncset.done $0x0  }
0x54: {  	[sflag:s18] =	ssyncadd.s32 $0xFFFFFF80  }
0x55: {  	v2 =	vld [tilespmem:$0x0]  }
0x56: {  	v3 =	vld [tilespmem:$0x80];
	_ =	sdelay $0x4  }
0x57: {  	v2 =	vshll.u32 v2, $0x1;
	v3 =	vshll.u32 v3, $0x1  }
0x58: {  	v3 =	vor.u32 $0x1, v3;
	_ =	sdelay $0x3  }
0x59: {  	v2 =	vld.idx.msk [tilespmem:v2+s17+$0x0], $0xffff  }
0x5a: {  	v3 =	vld.idx.msk [tilespmem:v3+s17+$0x0], $0xffff;
	_ =	sdelay $0x4  }
0x5b: {  	v2 =	vadd.f32 v3, v2;
	_ =	sdelay $0x1  }
0x5c: {  	v3 =	vmul.f32 $9.999999770e-03, v2  }
0x5d: {  	vm0 =	vge.f32 v2, $0.0e+00  }
0x5e: {  	v2 =	vsel vm0, v2, v3  }
0x5f: {  	v2 =	vmul.f32 $1.442695020e+00, v2;
	_ =	sdelay $0x1  }
0x60: {  	v3 =	vld [tilespmem:$0x90];
	(erf) = vpow2.f32 v2  }
0x61: {  	v2 =	vld [tilespmem:$0x10];
	_ =	sdelay $0x4  }
0x62: {  	v3 =	vshll.u32 v3, $0x1;
	v2 =	vshll.u32 v2, $0x1  }
0x63: {  	v3 =	vor.u32 $0x1, v3;
	_ =	sdelay $0x1  }
0x64: {  	v4 =	vpop (erf)  }
0x65: {  	[tilespmem:$0x4F20] =	vst v4  }
0x66: {  	v2 =	vld.idx.msk [tilespmem:v2+s17+$0x0], $0xffff  }
0x67: {  	v3 =	vld.idx.msk [tilespmem:v3+s17+$0x0], $0xffff;
	_ =	sdelay $0x4  }
0x68: {  	v2 =	vadd.f32 v3, v2;
	_ =	sdelay $0x1  }
0x69: {  	v3 =	vmul.f32 $9.999999770e-03, v2  }
0x6a: {  	vm9 =	vge.f32 v2, $0.0e+00  }
0x6b: {  	v2 =	vsel vm9, v2, v3  }
0x6c: {  	v2 =	vmul.f32 $1.442695020e+00, v2;
	_ =	sdelay $0x1  }
0x6d: {  	v3 =	vld [tilespmem:$0xA0];
	(erf) = vpow2.f32 v2  }
0x6e: {  	v2 =	vld [tilespmem:$0x20];
	_ =	sdelay $0x4  }
0x6f: {  	v3 =	vshll.u32 v3, $0x1;
	v2 =	vshll.u32 v2, $0x1  }
0x70: {  	v3 =	vor.u32 $0x1, v3;
	_ =	sdelay $0x1  }
0x71: {  	v4 =	vpop (erf)  }
0x72: {  	[tilespmem:$0x4F30] =	vst v4  }
0x73: {  	v2 =	vld.idx.msk [tilespmem:v2+s17+$0x0], $0xffff  }
0x74: {  	v3 =	vld.idx.msk [tilespmem:v3+s17+$0x0], $0xffff;
	_ =	sdelay $0x4  }
0x75: {  	v2 =	vadd.f32 v3, v2;
	_ =	sdelay $0x1  }
0x76: {  	v3 =	vmul.f32 $9.999999770e-03, v2  }
0x77: {  	vm10 =	vge.f32 v2, $0.0e+00  }
0x78: {  	v2 =	vsel vm10, v2, v3  }
0x79: {  	v2 =	vmul.f32 $1.442695020e+00, v2;
	_ =	sdelay $0x1  }
0x7a: {  	v3 =	vld [tilespmem:$0xB0];
	(erf) = vpow2.f32 v2  }
0x7b: {  	v2 =	vld [tilespmem:$0x30];
	_ =	sdelay $0x4  }
0x7c: {  	v3 =	vshll.u32 v3, $0x1;
	v2 =	vshll.u32 v2, $0x1  }
0x7d: {  	v3 =	vor.u32 $0x1, v3;
	_ =	sdelay $0x1  }
0x7e: {  	v4 =	vpop (erf)  }
0x7f: {  	[tilespmem:$0x4F40] =	vst v4  }
0x80: {  	v2 =	vld.idx.msk [tilespmem:v2+s17+$0x0], $0xffff  }
0x81: {  	v3 =	vld.idx.msk [tilespmem:v3+s17+$0x0], $0xffff;
	_ =	sdelay $0x4  }
0x82: {  	v2 =	vadd.f32 v3, v2;
	_ =	sdelay $0x1  }
0x83: {  	v3 =	vmul.f32 $9.999999770e-03, v2  }
0x84: {  	vm11 =	vge.f32 v2, $0.0e+00  }
0x85: {  	v2 =	vsel vm11, v2, v3  }
0x86: {  	v2 =	vmul.f32 $1.442695020e+00, v2;
	_ =	sdelay $0x1  }
0x87: {  	v3 =	vld [tilespmem:$0xC0];
	(erf) = vpow2.f32 v2  }
0x88: {  	v2 =	vld [tilespmem:$0x40];
	_ =	sdelay $0x4  }
0x89: {  	v3 =	vshll.u32 v3, $0x1;
	v2 =	vshll.u32 v2, $0x1  }
0x8a: {  	v3 =	vor.u32 $0x1, v3;
	_ =	sdelay $0x1  }
0x8b: {  	v4 =	vpop (erf)  }
0x8c: {  	[tilespmem:$0x4F50] =	vst v4  }
0x8d: {  	v2 =	vld.idx.msk [tilespmem:v2+s17+$0x0], $0xffff  }
0x8e: {  	v3 =	vld.idx.msk [tilespmem:v3+s17+$0x0], $0xffff;
	_ =	sdelay $0x4  }
0x8f: {  	v2 =	vadd.f32 v3, v2;
	_ =	sdelay $0x1  }
0x90: {  	v3 =	vmul.f32 $9.999999770e-03, v2  }
0x91: {  	vm12 =	vge.f32 v2, $0.0e+00  }
0x92: {  	v2 =	vsel vm12, v2, v3  }
0x93: {  	v2 =	vmul.f32 $1.442695020e+00, v2;
	_ =	sdelay $0x1  }
0x94: {  	v3 =	vld [tilespmem:$0xD0];
	(erf) = vpow2.f32 v2  }
0x95: {  	v2 =	vld [tilespmem:$0x50];
	_ =	sdelay $0x4  }
0x96: {  	v3 =	vshll.u32 v3, $0x1;
	v2 =	vshll.u32 v2, $0x1  }
0x97: {  	v3 =	vor.u32 $0x1, v3;
	_ =	sdelay $0x1  }
0x98: {  	v4 =	vpop (erf)  }
0x99: {  	[tilespmem:$0x4F60] =	vst v4  }
0x9a: {  	v2 =	vld.idx.msk [tilespmem:v2+s17+$0x0], $0xffff  }
0x9b: {  	v3 =	vld.idx.msk [tilespmem:v3+s17+$0x0], $0xffff;
	_ =	sdelay $0x4  }
0x9c: {  	v2 =	vadd.f32 v3, v2;
	_ =	sdelay $0x1  }
0x9d: {  	v3 =	vmul.f32 $9.999999770e-03, v2  }
0x9e: {  	vm13 =	vge.f32 v2, $0.0e+00  }
0x9f: {  	v2 =	vsel vm13, v2, v3  }
0xa0: {  	v2 =	vmul.f32 $1.442695020e+00, v2;
	_ =	sdelay $0x1  }
0xa1: {  	v3 =	vld [tilespmem:$0xE0];
	(erf) = vpow2.f32 v2  }
0xa2: {  	v2 =	vld [tilespmem:$0x60];
	_ =	sdelay $0x4  }
0xa3: {  	v3 =	vshll.u32 v3, $0x1;
	v2 =	vshll.u32 v2, $0x1  }
0xa4: {  	v3 =	vor.u32 $0x1, v3;
	_ =	sdelay $0x1  }
0xa5: {  	v4 =	vpop (erf)  }
0xa6: {  	[tilespmem:$0x4F70] =	vst v4  }
0xa7: {  	v2 =	vld.idx.msk [tilespmem:v2+s17+$0x0], $0xffff  }
0xa8: {  	v3 =	vld.idx.msk [tilespmem:v3+s17+$0x0], $0xffff;
	_ =	sdelay $0x4  }
0xa9: {  	v2 =	vadd.f32 v3, v2;
	_ =	sdelay $0x1  }
0xaa: {  	v3 =	vmul.f32 $9.999999770e-03, v2  }
0xab: {  	vm14 =	vge.f32 v2, $0.0e+00  }
0xac: {  	v2 =	vsel vm14, v2, v3  }
0xad: {  	v2 =	vmul.f32 $1.442695020e+00, v2;
	_ =	sdelay $0x1  }
0xae: {  	v3 =	vld [tilespmem:$0xF0];
	(erf) = vpow2.f32 v2  }
0xaf: {  	v2 =	vld [tilespmem:$0x70];
	_ =	sdelay $0x4  }
0xb0: {  	v3 =	vshll.u32 v3, $0x1;
	v2 =	vshll.u32 v2, $0x1  }
0xb1: {  	v3 =	vor.u32 $0x1, v3;
	_ =	sdelay $0x1  }
0xb2: {  	v4 =	vpop (erf)  }
0xb3: {  	[tilespmem:$0x4F80] =	vst v4  }
0xb4: {  	v2 =	vld.idx.msk [tilespmem:v2+s17+$0x0], $0xffff  }
0xb5: {  	v3 =	vld.idx.msk [tilespmem:v3+s17+$0x0], $0xffff;
	_ =	sdelay $0x4  }
0xb6: {  	v2 =	vadd.f32 v3, v2;
	_ =	sdelay $0x1  }
0xb7: {  	v3 =	vmul.f32 $9.999999770e-03, v2  }
0xb8: {  	vm15 =	vge.f32 v2, $0.0e+00  }
0xb9: {  	v2 =	vsel vm15, v2, v3  }
0xba: {  	v2 =	vmul.f32 $1.442695020e+00, v2;
	_ =	sdelay $0x1  }
0xbb: {  	(erf) = vpow2.f32 v2;
	_ =	sdelay $0x8  }
0xbc: {  	v2 =	vpop (erf)  }
0xbd: {  	[tilespmem:$0x4F90] =	vst v2  }
0xbe: {  	[tilespmem:s19], [sflag:$0x1] =	stream.indirect.gather [hbm4b:s5+s20], $0x90, s25, s20, $0xb8;
	[tilespmem:$0x1FFA0] =	vst v63  }
0xbf: {  	_ =	swait.ge [sflag:s22], $0x4800  }
0xc0: {  	v2 =	vmov s25;
	[sflag:s22] =	ssyncset.done $0x0  }
0xc1: {  	s28 =	simm.s32 $0x4FE0;
	[sflag:s22] =	ssyncadd.s32 $0xFFFFB800  }
0xc2: {  	v7 =	vld [tilespmem:s28+$0xFFFFFFC0]  }
0xc3: {  	v10 =	vld [tilespmem:s28+$0x30]  }
0xc4: {  	v8 =	vld [tilespmem:s28+$0x40]  }
0xc5: {  	v3 =	vld.idx.msk [tilespmem:v2+s23+$0x0], $0xffff  }
0xc6: {  	v12 =	vld [tilespmem:s28+$0xFFFFFFE0]  }
0xc7: {  	v2 =	vld [tilespmem:s28+$0xFFFFFFF0]  }
0xc8: {  	v4 =	vld [tilespmem:s28+$0x20]  }
0xc9: {  	v5 =	vld [tilespmem:s28+$0xFFFFFFD0]  }
0xca: {  	v6 =	vld [tilespmem:s28+$0x10]  }
0xcb: {  	v11 =	vmul.f32 v7, v3;
	v9 =	vmul.f32 v8, v3;
	v7 =	vld [tilespmem:s28+$0x0]  }
0xcc: {  	s30 =	simm.s32 $0x4FE0;
	s29 =	simm.s32 $0x1;
	v8 =	vmul.f32 v12, v3;
	v10 =	vmul.f32 v10, v3  }
.LBB2_5:
0xcd: {  	p0 =	sne.s32 s29, $0x7F  }
0xce: {  	[tilespmem:s28+$0xFFFFFFC0] =	vst v11;
	v5 =	vmul.f32 v5, v3;
	v4 =	vmul.f32 v4, v3;
	s30 =	sadd.s32 $0x90, s30;
	s31 =	smov.u32 s29;
	s29 =	sadd.s32 $0x1, s29  }
0xcf: {  	v11 =	vmul.f32 v2, v3;
	v2 =	vmul.f32 v6, v3;
	[tilespmem:s28+$0x40] =	vst v9  }
0xd0: {  	v3 =	vmul.f32 v7, v3;
	[tilespmem:s28+$0x30] =	vst v10  }
0xd1: {  	[tilespmem:s28+$0xFFFFFFE0] =	vst v8  }
0xd2: {  	v6 =	vmov s31;
	[tilespmem:s28+$0x10] =	vst v2  }
0xd3: {  	v2 =	vld [tilespmem:s30+$0xFFFFFFF0];
	[tilespmem:s28+$0x0] =	vst v3  }
0xd4: {  	v8 =	vld [tilespmem:s30+$0xFFFFFFC0];
	[tilespmem:s28+$0xFFFFFFF0] =	vst v11  }
0xd5: {  	v10 =	vld [tilespmem:s30+$0x30];
	[tilespmem:s28+$0x20] =	vst v4  }
0xd6: {  	v9 =	vld [tilespmem:s30+$0x40];
	[tilespmem:s28+$0xFFFFFFD0] =	vst v5;
	s28 =	smov.u32 s30  }
0xd7: {  	v3 =	vld.idx.msk [tilespmem:v6+s23+$0x0], $0xffff  }
0xd8: {  	v12 =	vld [tilespmem:s30+$0xFFFFFFE0]  }
0xd9: {  	v4 =	vld [tilespmem:s30+$0x20]  }
.Ltmp1:
0xda: {  	v5 =	vld [tilespmem:s30+$0xFFFFFFD0];
	(pc) =	sbr.rel @p0 .LBB2_5-.Ltmp1, $4  }
0xdb: {  	v6 =	vld [tilespmem:s30+$0x10]  }
0xdc: {  	v7 =	vld [tilespmem:s30+$0x0]  }
0xdd: {  	v11 =	vmul.f32 v8, v3;
	v9 =	vmul.f32 v9, v3  }
0xde: {  	v10 =	vmul.f32 v10, v3;
	v8 =	vmul.f32 v12, v3  }
0xdf: {  	[tilespmem:s28+$0xFFFFFFC0] =	vst v11  }
0xe0: {  	[tilespmem:s28+$0x40] =	vst v9  }
0xe1: {  	v2 =	vmul.f32 v2, v3;
	[tilespmem:s28+$0x30] =	vst v10  }
0xe2: {  	v4 =	vmul.f32 v4, v3;
	s26 =	sadd.s32 $0x1, s26;
	[tilespmem:s28+$0xFFFFFFE0] =	vst v8  }
0xe3: {  	v6 =	vmul.f32 v6, v3;
	p0 =	sne.s32 s26, s13;
	[tilespmem:s28+$0xFFFFFFF0] =	vst v2  }
.Ltmp2:
0xe4: {  	v7 =	vmul.f32 v7, v3;
	[tilespmem:s28+$0x20] =	vst v4;
	(pc) =	sbr.rel @p0 .LBB2_4-.Ltmp2, $4  }
0xe5: {  	v3 =	vmul.f32 v5, v3;
	[tilespmem:s28+$0x10] =	vst v6  }
0xe6: {  	[tilespmem:s28+$0x0] =	vst v7  }
0xe7: {  	[tilespmem:s28+$0xFFFFFFD0] =	vst v3  }
0xe8: {  	[spmem:s3] =	stream.indirect.scatter.add.f32 [tilespmem:s19], [sflag:$0x2], $0x90, s20, s20, $0xb8;
	[tilespmem:$0x1FFA0] =	vst v63  }
0xe9: {  	_ =	swait.ge [sflag:s21], $0x4800  }
0xea: {  	s25 =	sshll.u32 s0, $0x6;
	s24 =	sadd.s32 $0x1, s24;
	[sflag:s21] =	ssyncset.done $0x0  }
0xeb: {  	s26 =	sshrl.u32 s8, $0x3;
	p0 =	sne.s32 s24, s16;
	[sflag:s21] =	ssyncadd.s32 $0xFFFFB800  }
.Ltmp3:
0xec: {  	s25 =	sor.u32 $0x1C03, s25;
	[bflag:$0x0] =	sbarrier.arrive $0xFFFF;
	(pc) =	sbr.rel @p0 .LBB2_1-.Ltmp3, $4  }
0xed: {  	[hbm:s15], [sflag:s25] =	dma.local [spmem:s26], $0x2D00  }
0xee: {  	_ =	swait.ge [sflag:s18], $0x2D00  }
0xef: {  	[sflag:s18] =	ssyncset.done $0x0  }
0xf0: {  	[sflag:s18] =	ssyncadd.s32 $0xFFFFD300  }
0xf1: {  	_ =	sfence.sel $0x180000  }
0xf2: {  	[bflag:$0x0] =	sbarrier.arrive $0xFFFF  }
0xf3: {  	p0 =	sne.s32 s0, $0x0;
	_ =	strace $0x90000047  }
0xf4: {  	s0 =	sadd.s32 @!p0 $0x100000, s1;
	[bflag:$0x2] =	sbarrier.arrive $0xFFFF  }
0xf5: {  	[sflag:s0] =	ssyncadd.tile.s32 @!p0 $0x1;
	_ =	shalt  }
.Lfunc_end2:
_tile_overlayer_lowered:
.L_overlay_start_2:
0xf6: {  	(tag) =	ssettag $0x2  }
0xf7: {  	s0 =	rddreg [dreg:$0x0];
	s2 =	stileid.u32  }
0xf8: {  	s1 =	rddreg [dreg:$0x1];
	p0 =	sne.s32 s2, $0x0  }
0xf9: {  	s3 =	rddreg [dreg:$0x2];
	[bflag:$0x3] =	sbarrier.arrive $0xFFFF;
	s2 =	simm.s32 @!p0 $0x1C03  }
0xfa: {  	[timem:s3], [sflag:s2] =	dma.local @!p0 [hbm:s0], s1  }
0xfb: {  	s0 =	simm.s32 @!p0 $0x3  }
0xfc: {  	_ =	swait.ge @!p0 [sflag:s0], s1  }
0xfd: {  	s1 =	ssub.s32 @!p0 $0x0, s1;
	[sflag:s0] =	ssyncset.done @!p0 $0x0  }
0xfe: {  	[sflag:s0] =	ssyncadd.s32 @!p0 s1  }
0xff: {  	[bflag:$0x3] =	sbarrier.arrive $0xFFFF  }
0x100: {  	_ =	shalt  }

</sc_bundles>
